<compile_context>
chip_gen: v7x
topology: tpu7x:2x2x1
jax: 0.10.2.dev20260603
libtpu: 0.0.44.dev20260713+nightly
codegen_flags: <defaults>
</compile_context>

<pallas_src>
import functools

import jax
import jax.numpy as jnp
from jax.experimental import pallas as pl
from jax.experimental.pallas import tpu as pltpu
from jax.experimental.pallas import tpu_sc as plsc

BT = 1024
ET = 128


def _route_body(x_ref, wf_ref, bf_ref, wr_ref, br_ref,
                feat_ref, pos2_ref, t2e_ref,
                tri_ref, run_ref, comb_ref):
    bt = x_ref.shape[0]
    n_leaf = br_ref.shape[1]
    n_cls = feat_ref.shape[1]
    n_tok = comb_ref.shape[0]
    n_tiles = t2e_ref.shape[0]
    n_blocks = n_tok // bt
    i = pl.program_id(0)

    @pl.when(i == 0)
    def _():
        row = jax.lax.broadcasted_iota(jnp.int32, (bt, bt), 0)
        col = jax.lax.broadcasted_iota(jnp.int32, (bt, bt), 1)
        tri_ref[...] = (col < row).astype(jnp.float32)
        run_ref[...] = jnp.zeros_like(run_ref)

    @pl.when(i < n_blocks)
    def _():
        x = x_ref[...]
        feat_ref[...] = jnp.maximum(
            jnp.dot(x, wf_ref[...], preferred_element_type=jnp.float32)
            + bf_ref[...],
            0.0,
        )
        logits = (jnp.dot(x, wr_ref[...], preferred_element_type=jnp.float32)
                  + br_ref[...])
        lmax = jnp.max(logits, axis=1, keepdims=True)
        eidx = jax.lax.broadcasted_iota(jnp.int32, (bt, n_leaf), 1)
        choices = jnp.min(jnp.where(logits == lmax, eidx, n_leaf),
                          axis=1, keepdims=True)
        onehot = (eidx == choices).astype(jnp.float32)

        ranks = jnp.dot(tri_ref[...], onehot, preferred_element_type=jnp.float32)
        lpos = jnp.sum(onehot * (ranks + run_ref[...]), axis=1, keepdims=True)

        lane = jax.lax.broadcasted_iota(jnp.int32, (bt, 2 * n_leaf), 1)
        comb = (jnp.where(lane == choices, 1.0, 0.0)
                + jnp.where(lane == n_leaf, lpos, 0.0))
        comb_ref[pl.ds(i * bt, bt), :] = comb

        run_ref[...] = run_ref[...] + jnp.dot(
            jnp.ones((1, bt), jnp.float32), onehot,
            preferred_element_type=jnp.float32)

    @pl.when(i == n_blocks)
    def _():
        seg = (((run_ref[...].astype(jnp.int32) + (ET - 1)) >> 7) << 7)
        er = jax.lax.broadcasted_iota(jnp.int32, (n_leaf, 2 * n_leaf), 0)
        ec = jax.lax.broadcasted_iota(jnp.int32, (n_leaf, 2 * n_leaf), 1)
        m = ((er < ec) & (ec < n_leaf)).astype(jnp.float32)
        off = jnp.dot(seg.astype(jnp.float32), m,
                      preferred_element_type=jnp.float32)
        lane1 = jax.lax.broadcasted_iota(jnp.int32, (1, 2 * n_leaf), 1)
        wide = off + jnp.where(lane1 == n_leaf, 1.0, 0.0)
        ones_col = jnp.ones((2 * n_leaf, 1), jnp.float32)
        pos2_ref[...] = jnp.dot(comb_ref[...] * wide, ones_col,
                                preferred_element_type=jnp.float32
                                ).astype(jnp.int32)
        tstart = (jax.lax.broadcasted_iota(jnp.int32, (n_tiles, n_leaf), 0)
                  * ET).astype(jnp.float32)
        hit = (off[:, :n_leaf] <= tstart).astype(jnp.float32)
        t2e_ref[...] = jnp.dot(hit, ones_col[:n_leaf],
                               preferred_element_type=jnp.float32
                               ).astype(jnp.int32) - 1


def _sc_row_scatter(feat, pos2, n_pad):
    info = plsc.get_sparse_core_info()
    nc, ns = info.num_cores, info.num_subcores
    nw = nc * ns
    n_tok, d_f = feat.shape
    b_per_w = n_tok // nw
    mesh = plsc.VectorSubcoreMesh(core_axis_name="c", subcore_axis_name="s")

    @functools.partial(
        pl.kernel, mesh=mesh,
        out_type=jax.ShapeDtypeStruct((n_pad, d_f), jnp.float32),
        scratch_types=[
            pltpu.VMEM((b_per_w,), jnp.int32),
            pltpu.VMEM((b_per_w, d_f), jnp.float32),
            pltpu.SemaphoreType.DMA,
            pltpu.SemaphoreType.DMA,
        ],
    )
    def k(feat_hbm, idx_hbm, out_hbm, idx_v, rows_v, sem1, sem2):
        wid = jax.lax.axis_index("s") * nc + jax.lax.axis_index("c")
        base = wid * b_per_w
        cp_i = pltpu.async_copy(idx_hbm.at[pl.ds(base, b_per_w)], idx_v, sem1)
        cp_r = pltpu.async_copy(feat_hbm.at[pl.ds(base, b_per_w)], rows_v, sem2)
        cp_i.wait()
        cp_r.wait()
        pltpu.async_copy(rows_v, out_hbm.at[idx_v], sem1).wait()

    return k(feat, pos2)


def _expert_body(t2e_ref, featS_ref, w2_ref, lb_ref, out_ref):
    d_f = featS_ref.shape[1]
    n_leaf = lb_ref.shape[0]
    n_sub = featS_ref.shape[0] // ET
    t = pl.program_id(0)
    for s in range(n_sub):
        e = t2e_ref[t * n_sub + s, 0]
        w_e = w2_ref[pl.ds(e * d_f, d_f), :]
        acc = jnp.dot(featS_ref[pl.ds(s * ET, ET), :], w_e,
                      preferred_element_type=jnp.float32)
        eoh = (jax.lax.broadcasted_iota(jnp.int32, (1, n_leaf), 1) == e
               ).astype(jnp.float32)
        out_ref[pl.ds(s * ET, ET), :] = acc + jnp.dot(
            eoh, lb_ref[...], preferred_element_type=jnp.float32)


def kernel(inputs, Wf, bf, Wr, br, leaf_W, leaf_b):
    n_tok, d_in = inputs.shape
    d_f = Wf.shape[1]
    n_leaf, _, n_cls = leaf_W.shape
    n_pad = n_tok + n_leaf * ET
    n_tiles = n_pad // ET
    n_blocks = n_tok // BT

    feat, pos2_2d, t2e = pl.pallas_call(
        _route_body,
        grid=(n_blocks + 1,),
        in_specs=[
            pl.BlockSpec((BT, d_in), lambda i: (jnp.minimum(i, n_tok // BT - 1), 0)),
            pl.BlockSpec((d_in, d_f), lambda i: (0, 0)),
            pl.BlockSpec((1, d_f), lambda i: (0, 0)),
            pl.BlockSpec((d_in, n_leaf), lambda i: (0, 0)),
            pl.BlockSpec((1, n_leaf), lambda i: (0, 0)),
        ],
        out_specs=[
            pl.BlockSpec((BT, d_f), lambda i: (jnp.minimum(i, n_tok // BT - 1), 0)),
            pl.BlockSpec((n_tok, 1), lambda i: (0, 0)),
            pl.BlockSpec((n_tiles, 1), lambda i: (0, 0)),
        ],
        out_shape=[
            jax.ShapeDtypeStruct((n_tok, d_f), jnp.float32),
            jax.ShapeDtypeStruct((n_tok, 1), jnp.int32),
            jax.ShapeDtypeStruct((n_tiles, 1), jnp.int32),
        ],
        scratch_shapes=[
            pltpu.VMEM((BT, BT), jnp.float32),
            pltpu.VMEM((1, n_leaf), jnp.float32),
            pltpu.VMEM((n_tok, 2 * n_leaf), jnp.float32),
        ],
    )(inputs, Wf, bf.reshape(1, d_f), Wr, br.reshape(1, n_leaf))

    pos2 = pos2_2d[:, 0]
    featS = _sc_row_scatter(feat, pos2, n_pad)

    n_sub = 16
    predS = pl.pallas_call(
        _expert_body,
        grid=(n_tiles // n_sub,),
        in_specs=[
            pl.BlockSpec(memory_space=pltpu.SMEM),
            pl.BlockSpec((n_sub * ET, d_f), lambda t: (t, 0)),
            pl.BlockSpec((n_leaf * d_f, n_cls), lambda t: (0, 0)),
            pl.BlockSpec((n_leaf, n_cls), lambda t: (0, 0)),
        ],
        out_specs=pl.BlockSpec((n_sub * ET, n_cls), lambda t: (t, 0)),
        out_shape=jax.ShapeDtypeStruct((n_pad, n_cls), jnp.float32),
    )(t2e, featS, leaf_W.reshape(n_leaf * d_f, n_cls), leaf_b)

    return predS[pos2]

# --- scband reference (transcript-rebuilt; emitter-appended) ---
"""Pipeline reference for scband-tree-nn-65249143161598 (READ-ONLY COPY).

The authoritative reference and input builder live on the scoring server;
editing this copy changes nothing except your own understanding.
"""

import jax, jax.numpy as jnp
import numpy as np

N_TOKENS = 4096
INPUT_DIM = 768
FEATURE_DIM = 128
NUM_LEAVES = 64
NUM_CLASSES = 128


def setup_inputs(seed: int = 0) -> dict:
    key = jax.random.key(seed)
    k_in, k_wf, k_bf, k_wr, k_br, k_lw, k_lb = jax.random.split(key, 7)
    inputs = jax.random.normal(k_in, (N_TOKENS, INPUT_DIM), dtype=jnp.float32)
    # Node (delegator) parameters: feature projection + routing head over leaves
    Wf = jax.random.normal(k_wf, (INPUT_DIM, FEATURE_DIM), dtype=jnp.float32) * (1.0 / np.sqrt(INPUT_DIM))
    bf = jax.random.normal(k_bf, (FEATURE_DIM,), dtype=jnp.float32) * 0.01
    Wr = jax.random.normal(k_wr, (INPUT_DIM, NUM_LEAVES), dtype=jnp.float32) * (1.0 / np.sqrt(INPUT_DIM))
    br = jax.random.normal(k_br, (NUM_LEAVES,), dtype=jnp.float32) * 0.01
    # Leaf expert parameters, stacked: [num_leaves, feature_dim, num_classes]
    leaf_W = jax.random.normal(k_lw, (NUM_LEAVES, FEATURE_DIM, NUM_CLASSES), dtype=jnp.float32) * (1.0 / np.sqrt(FEATURE_DIM))
    leaf_b = jax.random.normal(k_lb, (NUM_LEAVES, NUM_CLASSES), dtype=jnp.float32) * 0.01
    return {"inputs": inputs, "Wf": Wf, "bf": bf, "Wr": Wr, "br": br, "leaf_W": leaf_W, "leaf_b": leaf_b}


def reference(inputs, Wf, bf, Wr, br, leaf_W, leaf_b):
    # Node (delegator): features + routing probs
    features = jnp.maximum(inputs @ Wf + bf, 0.0)              # [B, feature_dim]
    logits = inputs @ Wr + br                                   # [B, num_leaves]
    probs = jax.nn.softmax(logits, axis=1)
    # choices = argmax over leaf probs (top-1 hard routing)
    choices = jnp.argmax(probs, axis=1)                         # [B] int
    # Vectorized form of the per-sample loop: predictions[i] = Leaf[choices[i]](features[i])
    W_sel = jnp.take(leaf_W, choices, axis=0)                   # [B, feature_dim, num_classes] (gather)
    b_sel = jnp.take(leaf_b, choices, axis=0)                   # [B, num_classes]
    predictions = jnp.einsum('nd,ndc->nc', features, W_sel) + b_sel
    return predictions

if __name__ == "__main__":
    import jax
    _d = setup_inputs()
    print(jax.jit(kernel)(*tuple(_d.values())))

</pallas_src>

<mosaic_0001>
#map = affine_map<(d0, d1) -> (0, 0)>
#map1 = affine_map<(d0, d1) -> (0)>
module attributes {stable_mosaic.version = 14 : i64} {
  func.func @k(%arg0: i32, %arg1: i32, %arg2: memref<4096x128xf32, #tpu.memory_space<hbm>>, %arg3: memref<4096xi32, #tpu.memory_space<hbm>>, %arg4: memref<12288x128xf32, #tpu.memory_space<hbm>>, %arg5: memref<128xi32, #tpu.memory_space<vmem>>, %arg6: memref<128x128xf32, #tpu.memory_space<vmem>>, %arg7: memref<!tpu.dma_semaphore, #tpu.memory_space<semaphore_mem>>, %arg8: memref<!tpu.dma_semaphore, #tpu.memory_space<semaphore_mem>>) attributes {dimension_semantics = [#tpu.dimension_semantics<core_parallel>, #tpu.dimension_semantics<subcore_parallel>], iteration_bounds = array<i64: 2, 16>, scalar_prefetch = 0 : i64, scratch_operands = 4 : i64, tpu.core_type = #tpu.core_type<sc_vector_subcore>, window_params = [{transform_indices = #map}, {transform_indices = #map1}, {transform_indices = #map}]} {
    %mul3A = arith.constant 2 : i32
    %mul3A_0 = arith.muli %arg1, %mul3A : i32
    %add3A = arith.addi %mul3A_0, %arg0 : i32
    %mul3A_1 = arith.constant 128 : i32
    %mul3A_2 = arith.muli %add3A, %mul3A_1 : i32
    %dma_start3A = tpu.memref_slice %arg3[%mul3A_2] : memref<4096xi32, #tpu.memory_space<hbm>> -> memref<128xi32, #tpu.memory_space<hbm>>
    %dma_start3A_3 = tpu.memref_slice %arg3[%mul3A_2] : memref<4096xi32, #tpu.memory_space<hbm>> -> memref<128xi32, #tpu.memory_space<hbm>>
    tpu.enqueue_dma source(%dma_start3A_3 : memref<128xi32, #tpu.memory_space<hbm>>) target(%arg5 : memref<128xi32, #tpu.memory_space<vmem>>) target_semaphore(%arg7 : memref<!tpu.dma_semaphore, #tpu.memory_space<semaphore_mem>>)
    %dma_start3A_4 = arith.constant 0 : i32
    %dma_start3A_5 = tpu.memref_slice %arg2[%mul3A_2, %dma_start3A_4] : memref<4096x128xf32, #tpu.memory_space<hbm>> -> memref<128x128xf32, #tpu.memory_space<hbm>>
    %dma_start3A_6 = arith.constant 0 : i32
    %dma_start3A_7 = tpu.memref_slice %arg2[%mul3A_2, %dma_start3A_6] : memref<4096x128xf32, #tpu.memory_space<hbm>> -> memref<128x128xf32, #tpu.memory_space<hbm>>
    tpu.enqueue_dma source(%dma_start3A_7 : memref<128x128xf32, #tpu.memory_space<hbm>>) target(%arg6 : memref<128x128xf32, #tpu.memory_space<vmem>>) target_semaphore(%arg8 : memref<!tpu.dma_semaphore, #tpu.memory_space<semaphore_mem>>)
    %dma_wait3A = tpu.memref_slice %arg3[%mul3A_2] : memref<4096xi32, #tpu.memory_space<hbm>> -> memref<128xi32, #tpu.memory_space<hbm>>
    %dma_wait3A_8 = tpu.memref_slice %arg3[%mul3A_2] : memref<4096xi32, #tpu.memory_space<hbm>> -> memref<128xi32, #tpu.memory_space<hbm>>
    tpu.wait_dma2 semaphore(%arg7 : memref<!tpu.dma_semaphore, #tpu.memory_space<semaphore_mem>>) src(%dma_wait3A_8 : memref<128xi32, #tpu.memory_space<hbm>>) dst(%arg5 : memref<128xi32, #tpu.memory_space<vmem>>)
    %dma_wait3A_9 = arith.constant 0 : i32
    %dma_wait3A_10 = tpu.memref_slice %arg2[%mul3A_2, %dma_wait3A_9] : memref<4096x128xf32, #tpu.memory_space<hbm>> -> memref<128x128xf32, #tpu.memory_space<hbm>>
    %dma_wait3A_11 = arith.constant 0 : i32
    %dma_wait3A_12 = tpu.memref_slice %arg2[%mul3A_2, %dma_wait3A_11] : memref<4096x128xf32, #tpu.memory_space<hbm>> -> memref<128x128xf32, #tpu.memory_space<hbm>>
    tpu.wait_dma2 semaphore(%arg8 : memref<!tpu.dma_semaphore, #tpu.memory_space<semaphore_mem>>) src(%dma_wait3A_12 : memref<128x128xf32, #tpu.memory_space<hbm>>) dst(%arg6 : memref<128x128xf32, #tpu.memory_space<vmem>>)
    %dma_start3A_13 = arith.constant 0 : i32
    %dma_start3A_14 = arith.constant 0 : i32
    %dma_start3A_15 = tpu.memref_slice %arg4[%dma_start3A_13, %dma_start3A_14] : memref<12288x128xf32, #tpu.memory_space<hbm>> -> memref<12288x128xf32, #tpu.memory_space<hbm>>
    tpu.enqueue_indirect_dma source(%arg6 : memref<128x128xf32, #tpu.memory_space<vmem>>) target(%dma_start3A_15 : memref<12288x128xf32, #tpu.memory_space<hbm>>) offsets(%arg5 : memref<128xi32, #tpu.memory_space<vmem>>) semaphore(%arg7 : memref<!tpu.dma_semaphore, #tpu.memory_space<semaphore_mem>>)
    %dma_wait3A_16 = arith.constant 0 : i32
    %dma_wait3A_17 = arith.constant 0 : i32
    %dma_wait3A_18 = tpu.memref_slice %arg4[%dma_wait3A_16, %dma_wait3A_17] : memref<12288x128xf32, #tpu.memory_space<hbm>> -> memref<12288x128xf32, #tpu.memory_space<hbm>>
    tpu.wait_indirect_dma semaphore(%arg7 : memref<!tpu.dma_semaphore, #tpu.memory_space<semaphore_mem>>) src(%arg6 : memref<128x128xf32, #tpu.memory_space<vmem>>) dst(%dma_wait3A_18 : memref<12288x128xf32, #tpu.memory_space<hbm>>)
    return
  }
}

module attributes {stable_mosaic.version = 14 : i64} {
  func.func @_expert_body(%arg0: i32, %arg1: memref<96x1xi32, #tpu.memory_space<smem>>, %arg2: memref<2048x128xf32, #tpu.memory_space<vmem>>, %arg3: memref<8192x128xf32, #tpu.memory_space<vmem>>, %arg4: memref<64x128xf32, #tpu.memory_space<vmem>>, %arg5: memref<2048x128xf32, #tpu.memory_space<vmem>>) attributes {dimension_semantics = [#tpu.dimension_semantics<arbitrary>], iteration_bounds = array<i64: 6>, scalar_prefetch = 0 : i64, scratch_operands = 0 : i64, tpu.core_type = #tpu.core_type<tc>, window_params = [{transform_indices = @transform_0, window_bounds = array<i64: 96, 1>}, {transform_indices = @transform_1, window_bounds = array<i64: 2048, 128>}, {pipeline_mode = #tpu.pipeline_mode<synchronous>, transform_indices = @transform_2, window_bounds = array<i64: 8192, 128>}, {pipeline_mode = #tpu.pipeline_mode<synchronous>, transform_indices = @transform_3, window_bounds = array<i64: 64, 128>}, {transform_indices = @transform_4, window_bounds = array<i64: 2048, 128>}]} {
    %mul3A = arith.constant 16 : i32
    %mul3A_0 = arith.muli %arg0, %mul3A : i32
    %add3A = arith.constant 0 : i32
    %add3A_1 = arith.addi %mul3A_0, %add3A : i32
    %get3A = arith.index_cast %add3A_1 : i32 to index
    %get3A_2 = arith.constant 0 : index
    %get3A_3 = memref.load %arg1[%get3A, %get3A_2] : memref<96x1xi32, #tpu.memory_space<smem>>
    %mul3A_4 = arith.constant 128 : i32
    %mul3A_5 = arith.muli %get3A_3, %mul3A_4 : i32
    %get3A_6 = arith.index_cast %mul3A_5 : i32 to index
    %get3A_7 = arith.constant 0 : index
    %get3A_8 = vector.load %arg3[%get3A_6, %get3A_7] : memref<8192x128xf32, #tpu.memory_space<vmem>>, vector<128x128xf32>
    %get3A_9 = arith.constant 0 : index
    %get3A_10 = arith.constant 0 : index
    %get3A_11 = vector.load %arg2[%get3A_9, %get3A_10] : memref<2048x128xf32, #tpu.memory_space<vmem>>, vector<128x128xf32>
    %dot_general3A = arith.constant dense<0.000000e+00> : vector<128x128xf32>
    %dot_general3A_12 = tpu.matmul %get3A_11, %get3A_8, %dot_general3A {dimension_numbers = #tpu.dot_dimension_numbers<[1], [0], [0], [1], [0, 0, 1, 1], [], []>, transpose_lhs_hint = false} : vector<128x128xf32>, vector<128x128xf32>, vector<128x128xf32> -> vector<128x128xf32>
    %iota3A = tpu.iota {dimensions = array<i32: 1>} : vector<1x64xi32>
    %eq3A = vector.broadcast %get3A_3 : i32 to vector<1x64xi32>
    %eq3A_13 = arith.cmpi eq, %iota3A, %eq3A : vector<1x64xi32>
    %convert_element_type3A = arith.extui %eq3A_13 : vector<1x64xi1> to vector<1x64xi32>
    %convert_element_type3A_14 = arith.sitofp %convert_element_type3A : vector<1x64xi32> to vector<1x64xf32>
    %get3A_15 = arith.constant 0 : index
    %get3A_16 = arith.constant 0 : index
    %get3A_17 = vector.load %arg4[%get3A_15, %get3A_16] : memref<64x128xf32, #tpu.memory_space<vmem>>, vector<64x128xf32>
    %dot_general3A_18 = arith.constant dense<0.000000e+00> : vector<1x128xf32>
    %dot_general3A_19 = tpu.matmul %convert_element_type3A_14, %get3A_17, %dot_general3A_18 {dimension_numbers = #tpu.dot_dimension_numbers<[1], [0], [0], [1], [0, 0, 1, 1], [], []>, transpose_lhs_hint = false} : vector<1x64xf32>, vector<64x128xf32>, vector<1x128xf32> -> vector<1x128xf32>
    %add3A_20 = vector.broadcast %dot_general3A_19 : vector<1x128xf32> to vector<128x128xf32>
    %add3A_21 = arith.addf %dot_general3A_12, %add3A_20 : vector<128x128xf32>
    %swap3A = arith.constant 0 : index
    %swap3A_22 = arith.constant 0 : index
    %swap3A_23 = vector.load %arg5[%swap3A, %swap3A_22] : memref<2048x128xf32, #tpu.memory_space<vmem>>, vector<128x128xf32>
    tpu.vector_store %arg5[%swap3A, %swap3A_22], %add3A_21 {strides = array<i32>} : memref<2048x128xf32, #tpu.memory_space<vmem>>, vector<128x128xf32>,
    %mul3A_24 = arith.constant 16 : i32
    %mul3A_25 = arith.muli %arg0, %mul3A_24 : i32
    %add3A_26 = arith.constant 1 : i32
    %add3A_27 = arith.addi %mul3A_25, %add3A_26 : i32
    %get3A_28 = arith.index_cast %add3A_27 : i32 to index
    %get3A_29 = arith.constant 0 : index
    %get3A_30 = memref.load %arg1[%get3A_28, %get3A_29] : memref<96x1xi32, #tpu.memory_space<smem>>
    %mul3A_31 = arith.constant 128 : i32
    %mul3A_32 = arith.muli %get3A_30, %mul3A_31 : i32
    %get3A_33 = arith.index_cast %mul3A_32 : i32 to index
    %get3A_34 = arith.constant 0 : index
    %get3A_35 = vector.load %arg3[%get3A_33, %get3A_34] : memref<8192x128xf32, #tpu.memory_space<vmem>>, vector<128x128xf32>
    %get3A_36 = arith.constant 128 : index
    %get3A_37 = arith.constant 0 : index
    %get3A_38 = vector.load %arg2[%get3A_36, %get3A_37] : memref<2048x128xf32, #tpu.memory_space<vmem>>, vector<128x128xf32>
    %dot_general3A_39 = arith.constant dense<0.000000e+00> : vector<128x128xf32>
    %dot_general3A_40 = tpu.matmul %get3A_38, %get3A_35, %dot_general3A_39 {dimension_numbers = #tpu.dot_dimension_numbers<[1], [0], [0], [1], [0, 0, 1, 1], [], []>, transpose_lhs_hint = false} : vector<128x128xf32>, vector<128x128xf32>, vector<128x128xf32> -> vector<128x128xf32>
    %iota3A_41 = tpu.iota {dimensions = array<i32: 1>} : vector<1x64xi32>
    %eq3A_42 = vector.broadcast %get3A_30 : i32 to vector<1x64xi32>
    %eq3A_43 = arith.cmpi eq, %iota3A_41, %eq3A_42 : vector<1x64xi32>
    %convert_element_type3A_44 = arith.extui %eq3A_43 : vector<1x64xi1> to vector<1x64xi32>
    %convert_element_type3A_45 = arith.sitofp %convert_element_type3A_44 : vector<1x64xi32> to vector<1x64xf32>
    %get3A_46 = arith.constant 0 : index
    %get3A_47 = arith.constant 0 : index
    %get3A_48 = vector.load %arg4[%get3A_46, %get3A_47] : memref<64x128xf32, #tpu.memory_space<vmem>>, vector<64x128xf32>
    %dot_general3A_49 = arith.constant dense<0.000000e+00> : vector<1x128xf32>
    %dot_general3A_50 = tpu.matmul %convert_element_type3A_45, %get3A_48, %dot_general3A_49 {dimension_numbers = #tpu.dot_dimension_numbers<[1], [0], [0], [1], [0, 0, 1, 1], [], []>, transpose_lhs_hint = false} : vector<1x64xf32>, vector<64x128xf32>, vector<1x128xf32> -> vector<1x128xf32>
    %add3A_51 = vector.broadcast %dot_general3A_50 : vector<1x128xf32> to vector<128x128xf32>
    %add3A_52 = arith.addf %dot_general3A_40, %add3A_51 : vector<128x128xf32>
    %swap3A_53 = arith.constant 128 : index
    %swap3A_54 = arith.constant 0 : index
    %swap3A_55 = vector.load %arg5[%swap3A_53, %swap3A_54] : memref<2048x128xf32, #tpu.memory_space<vmem>>, vector<128x128xf32>
    tpu.vector_store %arg5[%swap3A_53, %swap3A_54], %add3A_52 {strides = array<i32>} : memref<2048x128xf32, #tpu.memory_space<vmem>>, vector<128x128xf32>,
    %mul3A_56 = arith.constant 16 : i32
    %mul3A_57 = arith.muli %arg0, %mul3A_56 : i32
    %add3A_58 = arith.constant 2 : i32
    %add3A_59 = arith.addi %mul3A_57, %add3A_58 : i32
    %get3A_60 = arith.index_cast %add3A_59 : i32 to index
    %get3A_61 = arith.constant 0 : index
    %get3A_62 = memref.load %arg1[%get3A_60, %get3A_61] : memref<96x1xi32, #tpu.memory_space<smem>>
    %mul3A_63 = arith.constant 128 : i32
    %mul3A_64 = arith.muli %get3A_62, %mul3A_63 : i32
    %get3A_65 = arith.index_cast %mul3A_64 : i32 to index
    %get3A_66 = arith.constant 0 : index
    %get3A_67 = vector.load %arg3[%get3A_65, %get3A_66] : memref<8192x128xf32, #tpu.memory_space<vmem>>, vector<128x128xf32>
    %get3A_68 = arith.constant 256 : index
    %get3A_69 = arith.constant 0 : index
    %get3A_70 = vector.load %arg2[%get3A_68, %get3A_69] : memref<2048x128xf32, #tpu.memory_space<vmem>>, vector<128x128xf32>
    %dot_general3A_71 = arith.constant dense<0.000000e+00> : vector<128x128xf32>
    %dot_general3A_72 = tpu.matmul %get3A_70, %get3A_67, %dot_general3A_71 {dimension_numbers = #tpu.dot_dimension_numbers<[1], [0], [0], [1], [0, 0, 1, 1], [], []>, transpose_lhs_hint = false} : vector<128x128xf32>, vector<128x128xf32>, vector<128x128xf32> -> vector<128x128xf32>
    %iota3A_73 = tpu.iota {dimensions = array<i32: 1>} : vector<1x64xi32>
    %eq3A_74 = vector.broadcast %get3A_62 : i32 to vector<1x64xi32>
    %eq3A_75 = arith.cmpi eq, %iota3A_73, %eq3A_74 : vector<1x64xi32>
    %convert_element_type3A_76 = arith.extui %eq3A_75 : vector<1x64xi1> to vector<1x64xi32>
    %convert_element_type3A_77 = arith.sitofp %convert_element_type3A_76 : vector<1x64xi32> to vector<1x64xf32>
    %get3A_78 = arith.constant 0 : index
    %get3A_79 = arith.constant 0 : index
    %get3A_80 = vector.load %arg4[%get3A_78, %get3A_79] : memref<64x128xf32, #tpu.memory_space<vmem>>, vector<64x128xf32>
    %dot_general3A_81 = arith.constant dense<0.000000e+00> : vector<1x128xf32>
    %dot_general3A_82 = tpu.matmul %convert_element_type3A_77, %get3A_80, %dot_general3A_81 {dimension_numbers = #tpu.dot_dimension_numbers<[1], [0], [0], [1], [0, 0, 1, 1], [], []>, transpose_lhs_hint = false} : vector<1x64xf32>, vector<64x128xf32>, vector<1x128xf32> -> vector<1x128xf32>
    %add3A_83 = vector.broadcast %dot_general3A_82 : vector<1x128xf32> to vector<128x128xf32>
    %add3A_84 = arith.addf %dot_general3A_72, %add3A_83 : vector<128x128xf32>
    %swap3A_85 = arith.constant 256 : index
    %swap3A_86 = arith.constant 0 : index
    %swap3A_87 = vector.load %arg5[%swap3A_85, %swap3A_86] : memref<2048x128xf32, #tpu.memory_space<vmem>>, vector<128x128xf32>
    tpu.vector_store %arg5[%swap3A_85, %swap3A_86], %add3A_84 {strides = array<i32>} : memref<2048x128xf32, #tpu.memory_space<vmem>>, vector<128x128xf32>,
    %mul3A_88 = arith.constant 16 : i32
    %mul3A_89 = arith.muli %arg0, %mul3A_88 : i32
    %add3A_90 = arith.constant 3 : i32
    %add3A_91 = arith.addi %mul3A_89, %add3A_90 : i32
    %get3A_92 = arith.index_cast %add3A_91 : i32 to index
    %get3A_93 = arith.constant 0 : index
    %get3A_94 = memref.load %arg1[%get3A_92, %get3A_93] : memref<96x1xi32, #tpu.memory_space<smem>>
    %mul3A_95 = arith.constant 128 : i32
    %mul3A_96 = arith.muli %get3A_94, %mul3A_95 : i32
    %get3A_97 = arith.index_cast %mul3A_96 : i32 to index
    %get3A_98 = arith.constant 0 : index
    %get3A_99 = vector.load %arg3[%get3A_97, %get3A_98] : memref<8192x128xf32, #tpu.memory_space<vmem>>, vector<128x128xf32>
    %get3A_100 = arith.constant 384 : index
    %get3A_101 = arith.constant 0 : index
    %get3A_102 = vector.load %arg2[%get3A_100, %get3A_101] : memref<2048x128xf32, #tpu.memory_space<vmem>>, vector<128x128xf32>
    %dot_general3A_103 = arith.constant dense<0.000000e+00> : vector<128x128xf32>
    %dot_general3A_104 = tpu.matmul %get3A_102, %get3A_99, %dot_general3A_103 {dimension_numbers = #tpu.dot_dimension_numbers<[1], [0], [0], [1], [0, 0, 1, 1], [], []>, transpose_lhs_hint = false} : vector<128x128xf32>, vector<128x128xf32>, vector<128x128xf32> -> vector<128x128xf32>
    %iota3A_105 = tpu.iota {dimensions = array<i32: 1>} : vector<1x64xi32>
    %eq3A_106 = vector.broadcast %get3A_94 : i32 to vector<1x64xi32>
    %eq3A_107 = arith.cmpi eq, %iota3A_105, %eq3A_106 : vector<1x64xi32>
    %convert_element_type3A_108 = arith.extui %eq3A_107 : vector<1x64xi1> to vector<1x64xi32>
    %convert_element_type3A_109 = arith.sitofp %convert_element_type3A_108 : vector<1x64xi32> to vector<1x64xf32>
    %get3A_110 = arith.constant 0 : index
    %get3A_111 = arith.constant 0 : index
    %get3A_112 = vector.load %arg4[%get3A_110, %get3A_111] : memref<64x128xf32, #tpu.memory_space<vmem>>, vector<64x128xf32>
    %dot_general3A_113 = arith.constant dense<0.000000e+00> : vector<1x128xf32>
    %dot_general3A_114 = tpu.matmul %convert_element_type3A_109, %get3A_112, %dot_general3A_113 {dimension_numbers = #tpu.dot_dimension_numbers<[1], [0], [0], [1], [0, 0, 1, 1], [], []>, transpose_lhs_hint = false} : vector<1x64xf32>, vector<64x128xf32>, vector<1x128xf32> -> vector<1x128xf32>
    %add3A_115 = vector.broadcast %dot_general3A_114 : vector<1x128xf32> to vector<128x128xf32>
    %add3A_116 = arith.addf %dot_general3A_104, %add3A_115 : vector<128x128xf32>
    %swap3A_117 = arith.constant 384 : index
    %swap3A_118 = arith.constant 0 : index
    %swap3A_119 = vector.load %arg5[%swap3A_117, %swap3A_118] : memref<2048x128xf32, #tpu.memory_space<vmem>>, vector<128x128xf32>
    tpu.vector_store %arg5[%swap3A_117, %swap3A_118], %add3A_116 {strides = array<i32>} : memref<2048x128xf32, #tpu.memory_space<vmem>>, vector<128x128xf32>,
    %mul3A_120 = arith.constant 16 : i32
    %mul3A_121 = arith.muli %arg0, %mul3A_120 : i32
    %add3A_122 = arith.constant 4 : i32
    %add3A_123 = arith.addi %mul3A_121, %add3A_122 : i32
    %get3A_124 = arith.index_cast %add3A_123 : i32 to index
    %get3A_125 = arith.constant 0 : index
    %get3A_126 = memref.load %arg1[%get3A_124, %get3A_125] : memref<96x1xi32, #tpu.memory_space<smem>>
    %mul3A_127 = arith.constant 128 : i32
    %mul3A_128 = arith.muli %get3A_126, %mul3A_127 : i32
    %get3A_129 = arith.index_cast %mul3A_128 : i32 to index
    %get3A_130 = arith.constant 0 : index
    %get3A_131 = vector.load %arg3[%get3A_129, %get3A_130] : memref<8192x128xf32, #tpu.memory_space<vmem>>, vector<128x128xf32>
    %get3A_132 = arith.constant 512 : index
    %get3A_133 = arith.constant 0 : index
    %get3A_134 = vector.load %arg2[%get3A_132, %get3A_133] : memref<2048x128xf32, #tpu.memory_space<vmem>>, vector<128x128xf32>
    %dot_general3A_135 = arith.constant dense<0.000000e+00> : vector<128x128xf32>
    %dot_general3A_136 = tpu.matmul %get3A_134, %get3A_131, %dot_general3A_135 {dimension_numbers = #tpu.dot_dimension_numbers<[1], [0], [0], [1], [0, 0, 1, 1], [], []>, transpose_lhs_hint = false} : vector<128x128xf32>, vector<128x128xf32>, vector<128x128xf32> -> vector<128x128xf32>
    %iota3A_137 = tpu.iota {dimensions = array<i32: 1>} : vector<1x64xi32>
    %eq3A_138 = vector.broadcast %get3A_126 : i32 to vector<1x64xi32>
    %eq3A_139 = arith.cmpi eq, %iota3A_137, %eq3A_138 : vector<1x64xi32>
    %convert_element_type3A_140 = arith.extui %eq3A_139 : vector<1x64xi1> to vector<1x64xi32>
    %convert_element_type3A_141 = arith.sitofp %convert_element_type3A_140 : vector<1x64xi32> to vector<1x64xf32>
    %get3A_142 = arith.constant 0 : index
    %get3A_143 = arith.constant 0 : index
    %get3A_144 = vector.load %arg4[%get3A_142, %get3A_143] : memref<64x128xf32, #tpu.memory_space<vmem>>, vector<64x128xf32>
    %dot_general3A_145 = arith.constant dense<0.000000e+00> : vector<1x128xf32>
    %dot_general3A_146 = tpu.matmul %convert_element_type3A_141, %get3A_144, %dot_general3A_145 {dimension_numbers = #tpu.dot_dimension_numbers<[1], [0], [0], [1], [0, 0, 1, 1], [], []>, transpose_lhs_hint = false} : vector<1x64xf32>, vector<64x128xf32>, vector<1x128xf32> -> vector<1x128xf32>
    %add3A_147 = vector.broadcast %dot_general3A_146 : vector<1x128xf32> to vector<128x128xf32>
    %add3A_148 = arith.addf %dot_general3A_136, %add3A_147 : vector<128x128xf32>
    %swap3A_149 = arith.constant 512 : index
    %swap3A_150 = arith.constant 0 : index
    %swap3A_151 = vector.load %arg5[%swap3A_149, %swap3A_150] : memref<2048x128xf32, #tpu.memory_space<vmem>>, vector<128x128xf32>
    tpu.vector_store %arg5[%swap3A_149, %swap3A_150], %add3A_148 {strides = array<i32>} : memref<2048x128xf32, #tpu.memory_space<vmem>>, vector<128x128xf32>,
    %mul3A_152 = arith.constant 16 : i32
    %mul3A_153 = arith.muli %arg0, %mul3A_152 : i32
    %add3A_154 = arith.constant 5 : i32
    %add3A_155 = arith.addi %mul3A_153, %add3A_154 : i32
    %get3A_156 = arith.index_cast %add3A_155 : i32 to index
    %get3A_157 = arith.constant 0 : index
    %get3A_158 = memref.load %arg1[%get3A_156, %get3A_157] : memref<96x1xi32, #tpu.memory_space<smem>>
    %mul3A_159 = arith.constant 128 : i32
    %mul3A_160 = arith.muli %get3A_158, %mul3A_159 : i32
    %get3A_161 = arith.index_cast %mul3A_160 : i32 to index
    %get3A_162 = arith.constant 0 : index
    %get3A_163 = vector.load %arg3[%get3A_161, %get3A_162] : memref<8192x128xf32, #tpu.memory_space<vmem>>, vector<128x128xf32>
    %get3A_164 = arith.constant 640 : index
    %get3A_165 = arith.constant 0 : index
    %get3A_166 = vector.load %arg2[%get3A_164, %get3A_165] : memref<2048x128xf32, #tpu.memory_space<vmem>>, vector<128x128xf32>
    %dot_general3A_167 = arith.constant dense<0.000000e+00> : vector<128x128xf32>
    %dot_general3A_168 = tpu.matmul %get3A_166, %get3A_163, %dot_general3A_167 {dimension_numbers = #tpu.dot_dimension_numbers<[1], [0], [0], [1], [0, 0, 1, 1], [], []>, transpose_lhs_hint = false} : vector<128x128xf32>, vector<128x128xf32>, vector<128x128xf32> -> vector<128x128xf32>
    %iota3A_169 = tpu.iota {dimensions = array<i32: 1>} : vector<1x64xi32>
    %eq3A_170 = vector.broadcast %get3A_158 : i32 to vector<1x64xi32>
    %eq3A_171 = arith.cmpi eq, %iota3A_169, %eq3A_170 : vector<1x64xi32>
    %convert_element_type3A_172 = arith.extui %eq3A_171 : vector<1x64xi1> to vector<1x64xi32>
    %convert_element_type3A_173 = arith.sitofp %convert_element_type3A_172 : vector<1x64xi32> to vector<1x64xf32>
    %get3A_174 = arith.constant 0 : index
    %get3A_175 = arith.constant 0 : index
    %get3A_176 = vector.load %arg4[%get3A_174, %get3A_175] : memref<64x128xf32, #tpu.memory_space<vmem>>, vector<64x128xf32>
    %dot_general3A_177 = arith.constant dense<0.000000e+00> : vector<1x128xf32>
    %dot_general3A_178 = tpu.matmul %convert_element_type3A_173, %get3A_176, %dot_general3A_177 {dimension_numbers = #tpu.dot_dimension_numbers<[1], [0], [0], [1], [0, 0, 1, 1], [], []>, transpose_lhs_hint = false} : vector<1x64xf32>, vector<64x128xf32>, vector<1x128xf32> -> vector<1x128xf32>
    %add3A_179 = vector.broadcast %dot_general3A_178 : vector<1x128xf32> to vector<128x128xf32>
    %add3A_180 = arith.addf %dot_general3A_168, %add3A_179 : vector<128x128xf32>
    %swap3A_181 = arith.constant 640 : index
    %swap3A_182 = arith.constant 0 : index
    %swap3A_183 = vector.load %arg5[%swap3A_181, %swap3A_182] : memref<2048x128xf32, #tpu.memory_space<vmem>>, vector<128x128xf32>
    tpu.vector_store %arg5[%swap3A_181, %swap3A_182], %add3A_180 {strides = array<i32>} : memref<2048x128xf32, #tpu.memory_space<vmem>>, vector<128x128xf32>,
    %mul3A_184 = arith.constant 16 : i32
    %mul3A_185 = arith.muli %arg0, %mul3A_184 : i32
    %add3A_186 = arith.constant 6 : i32
    %add3A_187 = arith.addi %mul3A_185, %add3A_186 : i32
    %get3A_188 = arith.index_cast %add3A_187 : i32 to index
    %get3A_189 = arith.constant 0 : index
    %get3A_190 = memref.load %arg1[%get3A_188, %get3A_189] : memref<96x1xi32, #tpu.memory_space<smem>>
    %mul3A_191 = arith.constant 128 : i32
    %mul3A_192 = arith.muli %get3A_190, %mul3A_191 : i32
    %get3A_193 = arith.index_cast %mul3A_192 : i32 to index
    %get3A_194 = arith.constant 0 : index
    %get3A_195 = vector.load %arg3[%get3A_193, %get3A_194] : memref<8192x128xf32, #tpu.memory_space<vmem>>, vector<128x128xf32>
    %get3A_196 = arith.constant 768 : index
    %get3A_197 = arith.constant 0 : index
    %get3A_198 = vector.load %arg2[%get3A_196, %get3A_197] : memref<2048x128xf32, #tpu.memory_space<vmem>>, vector<128x128xf32>
    %dot_general3A_199 = arith.constant dense<0.000000e+00> : vector<128x128xf32>
    %dot_general3A_200 = tpu.matmul %get3A_198, %get3A_195, %dot_general3A_199 {dimension_numbers = #tpu.dot_dimension_numbers<[1], [0], [0], [1], [0, 0, 1, 1], [], []>, transpose_lhs_hint = false} : vector<128x128xf32>, vector<128x128xf32>, vector<128x128xf32> -> vector<128x128xf32>
    %iota3A_201 = tpu.iota {dimensions = array<i32: 1>} : vector<1x64xi32>
    %eq3A_202 = vector.broadcast %get3A_190 : i32 to vector<1x64xi32>
    %eq3A_203 = arith.cmpi eq, %iota3A_201, %eq3A_202 : vector<1x64xi32>
    %convert_element_type3A_204 = arith.extui %eq3A_203 : vector<1x64xi1> to vector<1x64xi32>
    %convert_element_type3A_205 = arith.sitofp %convert_element_type3A_204 : vector<1x64xi32> to vector<1x64xf32>
    %get3A_206 = arith.constant 0 : index
    %get3A_207 = arith.constant 0 : index
    %get3A_208 = vector.load %arg4[%get3A_206, %get3A_207] : memref<64x128xf32, #tpu.memory_space<vmem>>, vector<64x128xf32>
    %dot_general3A_209 = arith.constant dense<0.000000e+00> : vector<1x128xf32>
    %dot_general3A_210 = tpu.matmul %convert_element_type3A_205, %get3A_208, %dot_general3A_209 {dimension_numbers = #tpu.dot_dimension_numbers<[1], [0], [0], [1], [0, 0, 1, 1], [], []>, transpose_lhs_hint = false} : vector<1x64xf32>, vector<64x128xf32>, vector<1x128xf32> -> vector<1x128xf32>
    %add3A_211 = vector.broadcast %dot_general3A_210 : vector<1x128xf32> to vector<128x128xf32>
    %add3A_212 = arith.addf %dot_general3A_200, %add3A_211 : vector<128x128xf32>
    %swap3A_213 = arith.constant 768 : index
    %swap3A_214 = arith.constant 0 : index
    %swap3A_215 = vector.load %arg5[%swap3A_213, %swap3A_214] : memref<2048x128xf32, #tpu.memory_space<vmem>>, vector<128x128xf32>
    tpu.vector_store %arg5[%swap3A_213, %swap3A_214], %add3A_212 {strides = array<i32>} : memref<2048x128xf32, #tpu.memory_space<vmem>>, vector<128x128xf32>,
    %mul3A_216 = arith.constant 16 : i32
    %mul3A_217 = arith.muli %arg0, %mul3A_216 : i32
    %add3A_218 = arith.constant 7 : i32
    %add3A_219 = arith.addi %mul3A_217, %add3A_218 : i32
    %get3A_220 = arith.index_cast %add3A_219 : i32 to index
    %get3A_221 = arith.constant 0 : index
    %get3A_222 = memref.load %arg1[%get3A_220, %get3A_221] : memref<96x1xi32, #tpu.memory_space<smem>>
    %mul3A_223 = arith.constant 128 : i32
    %mul3A_224 = arith.muli %get3A_222, %mul3A_223 : i32
    %get3A_225 = arith.index_cast %mul3A_224 : i32 to index
    %get3A_226 = arith.constant 0 : index
    %get3A_227 = vector.load %arg3[%get3A_225, %get3A_226] : memref<8192x128xf32, #tpu.memory_space<vmem>>, vector<128x128xf32>
    %get3A_228 = arith.constant 896 : index
    %get3A_229 = arith.constant 0 : index
    %get3A_230 = vector.load %arg2[%get3A_228, %get3A_229] : memref<2048x128xf32, #tpu.memory_space<vmem>>, vector<128x128xf32>
    %dot_general3A_231 = arith.constant dense<0.000000e+00> : vector<128x128xf32>
    %dot_general3A_232 = tpu.matmul %get3A_230, %get3A_227, %dot_general3A_231 {dimension_numbers = #tpu.dot_dimension_numbers<[1], [0], [0], [1], [0, 0, 1, 1], [], []>, transpose_lhs_hint = false} : vector<128x128xf32>, vector<128x128xf32>, vector<128x128xf32> -> vector<128x128xf32>
    %iota3A_233 = tpu.iota {dimensions = array<i32: 1>} : vector<1x64xi32>
    %eq3A_234 = vector.broadcast %get3A_222 : i32 to vector<1x64xi32>
    %eq3A_235 = arith.cmpi eq, %iota3A_233, %eq3A_234 : vector<1x64xi32>
    %convert_element_type3A_236 = arith.extui %eq3A_235 : vector<1x64xi1> to vector<1x64xi32>
    %convert_element_type3A_237 = arith.sitofp %convert_element_type3A_236 : vector<1x64xi32> to vector<1x64xf32>
    %get3A_238 = arith.constant 0 : index
    %get3A_239 = arith.constant 0 : index
    %get3A_240 = vector.load %arg4[%get3A_238, %get3A_239] : memref<64x128xf32, #tpu.memory_space<vmem>>, vector<64x128xf32>
    %dot_general3A_241 = arith.constant dense<0.000000e+00> : vector<1x128xf32>
    %dot_general3A_242 = tpu.matmul %convert_element_type3A_237, %get3A_240, %dot_general3A_241 {dimension_numbers = #tpu.dot_dimension_numbers<[1], [0], [0], [1], [0, 0, 1, 1], [], []>, transpose_lhs_hint = false} : vector<1x64xf32>, vector<64x128xf32>, vector<1x128xf32> -> vector<1x128xf32>
    %add3A_243 = vector.broadcast %dot_general3A_242 : vector<1x128xf32> to vector<128x128xf32>
    %add3A_244 = arith.addf %dot_general3A_232, %add3A_243 : vector<128x128xf32>
    %swap3A_245 = arith.constant 896 : index
    %swap3A_246 = arith.constant 0 : index
    %swap3A_247 = vector.load %arg5[%swap3A_245, %swap3A_246] : memref<2048x128xf32, #tpu.memory_space<vmem>>, vector<128x128xf32>
    tpu.vector_store %arg5[%swap3A_245, %swap3A_246], %add3A_244 {strides = array<i32>} : memref<2048x128xf32, #tpu.memory_space<vmem>>, vector<128x128xf32>,
    %mul3A_248 = arith.constant 16 : i32
    %mul3A_249 = arith.muli %arg0, %mul3A_248 : i32
    %add3A_250 = arith.constant 8 : i32
    %add3A_251 = arith.addi %mul3A_249, %add3A_250 : i32
    %get3A_252 = arith.index_cast %add3A_251 : i32 to index
    %get3A_253 = arith.constant 0 : index
    %get3A_254 = memref.load %arg1[%get3A_252, %get3A_253] : memref<96x1xi32, #tpu.memory_space<smem>>
    %mul3A_255 = arith.constant 128 : i32
    %mul3A_256 = arith.muli %get3A_254, %mul3A_255 : i32
    %get3A_257 = arith.index_cast %mul3A_256 : i32 to index
    %get3A_258 = arith.constant 0 : index
    %get3A_259 = vector.load %arg3[%get3A_257, %get3A_258] : memref<8192x128xf32, #tpu.memory_space<vmem>>, vector<128x128xf32>
    %get3A_260 = arith.constant 1024 : index
    %get3A_261 = arith.constant 0 : index
    %get3A_262 = vector.load %arg2[%get3A_260, %get3A_261] : memref<2048x128xf32, #tpu.memory_space<vmem>>, vector<128x128xf32>
    %dot_general3A_263 = arith.constant dense<0.000000e+00> : vector<128x128xf32>
    %dot_general3A_264 = tpu.matmul %get3A_262, %get3A_259, %dot_general3A_263 {dimension_numbers = #tpu.dot_dimension_numbers<[1], [0], [0], [1], [0, 0, 1, 1], [], []>, transpose_lhs_hint = false} : vector<128x128xf32>, vector<128x128xf32>, vector<128x128xf32> -> vector<128x128xf32>
    %iota3A_265 = tpu.iota {dimensions = array<i32: 1>} : vector<1x64xi32>
    %eq3A_266 = vector.broadcast %get3A_254 : i32 to vector<1x64xi32>
    %eq3A_267 = arith.cmpi eq, %iota3A_265, %eq3A_266 : vector<1x64xi32>
    %convert_element_type3A_268 = arith.extui %eq3A_267 : vector<1x64xi1> to vector<1x64xi32>
    %convert_element_type3A_269 = arith.sitofp %convert_element_type3A_268 : vector<1x64xi32> to vector<1x64xf32>
    %get3A_270 = arith.constant 0 : index
    %get3A_271 = arith.constant 0 : index
    %get3A_272 = vector.load %arg4[%get3A_270, %get3A_271] : memref<64x128xf32, #tpu.memory_space<vmem>>, vector<64x128xf32>
    %dot_general3A_273 = arith.constant dense<0.000000e+00> : vector<1x128xf32>
    %dot_general3A_274 = tpu.matmul %convert_element_type3A_269, %get3A_272, %dot_general3A_273 {dimension_numbers = #tpu.dot_dimension_numbers<[1], [0], [0], [1], [0, 0, 1, 1], [], []>, transpose_lhs_hint = false} : vector<1x64xf32>, vector<64x128xf32>, vector<1x128xf32> -> vector<1x128xf32>
    %add3A_275 = vector.broadcast %dot_general3A_274 : vector<1x128xf32> to vector<128x128xf32>
    %add3A_276 = arith.addf %dot_general3A_264, %add3A_275 : vector<128x128xf32>
    %swap3A_277 = arith.constant 1024 : index
    %swap3A_278 = arith.constant 0 : index
    %swap3A_279 = vector.load %arg5[%swap3A_277, %swap3A_278] : memref<2048x128xf32, #tpu.memory_space<vmem>>, vector<128x128xf32>
    tpu.vector_store %arg5[%swap3A_277, %swap3A_278], %add3A_276 {strides = array<i32>} : memref<2048x128xf32, #tpu.memory_space<vmem>>, vector<128x128xf32>,
    %mul3A_280 = arith.constant 16 : i32
    %mul3A_281 = arith.muli %arg0, %mul3A_280 : i32
    %add3A_282 = arith.constant 9 : i32
    %add3A_283 = arith.addi %mul3A_281, %add3A_282 : i32
    %get3A_284 = arith.index_cast %add3A_283 : i32 to index
    %get3A_285 = arith.constant 0 : index
    %get3A_286 = memref.load %arg1[%get3A_284, %get3A_285] : memref<96x1xi32, #tpu.memory_space<smem>>
    %mul3A_287 = arith.constant 128 : i32
    %mul3A_288 = arith.muli %get3A_286, %mul3A_287 : i32
    %get3A_289 = arith.index_cast %mul3A_288 : i32 to index
    %get3A_290 = arith.constant 0 : index
    %get3A_291 = vector.load %arg3[%get3A_289, %get3A_290] : memref<8192x128xf32, #tpu.memory_space<vmem>>, vector<128x128xf32>
    %get3A_292 = arith.constant 1152 : index
    %get3A_293 = arith.constant 0 : index
    %get3A_294 = vector.load %arg2[%get3A_292, %get3A_293] : memref<2048x128xf32, #tpu.memory_space<vmem>>, vector<128x128xf32>
    %dot_general3A_295 = arith.constant dense<0.000000e+00> : vector<128x128xf32>
    %dot_general3A_296 = tpu.matmul %get3A_294, %get3A_291, %dot_general3A_295 {dimension_numbers = #tpu.dot_dimension_numbers<[1], [0], [0], [1], [0, 0, 1, 1], [], []>, transpose_lhs_hint = false} : vector<128x128xf32>, vector<128x128xf32>, vector<128x128xf32> -> vector<128x128xf32>
    %iota3A_297 = tpu.iota {dimensions = array<i32: 1>} : vector<1x64xi32>
    %eq3A_298 = vector.broadcast %get3A_286 : i32 to vector<1x64xi32>
    %eq3A_299 = arith.cmpi eq, %iota3A_297, %eq3A_298 : vector<1x64xi32>
    %convert_element_type3A_300 = arith.extui %eq3A_299 : vector<1x64xi1> to vector<1x64xi32>
    %convert_element_type3A_301 = arith.sitofp %convert_element_type3A_300 : vector<1x64xi32> to vector<1x64xf32>
    %get3A_302 = arith.constant 0 : index
    %get3A_303 = arith.constant 0 : index
    %get3A_304 = vector.load %arg4[%get3A_302, %get3A_303] : memref<64x128xf32, #tpu.memory_space<vmem>>, vector<64x128xf32>
    %dot_general3A_305 = arith.constant dense<0.000000e+00> : vector<1x128xf32>
    %dot_general3A_306 = tpu.matmul %convert_element_type3A_301, %get3A_304, %dot_general3A_305 {dimension_numbers = #tpu.dot_dimension_numbers<[1], [0], [0], [1], [0, 0, 1, 1], [], []>, transpose_lhs_hint = false} : vector<1x64xf32>, vector<64x128xf32>, vector<1x128xf32> -> vector<1x128xf32>
    %add3A_307 = vector.broadcast %dot_general3A_306 : vector<1x128xf32> to vector<128x128xf32>
    %add3A_308 = arith.addf %dot_general3A_296, %add3A_307 : vector<128x128xf32>
    %swap3A_309 = arith.constant 1152 : index
    %swap3A_310 = arith.constant 0 : index
    %swap3A_311 = vector.load %arg5[%swap3A_309, %swap3A_310] : memref<2048x128xf32, #tpu.memory_space<vmem>>, vector<128x128xf32>
    tpu.vector_store %arg5[%swap3A_309, %swap3A_310], %add3A_308 {strides = array<i32>} : memref<2048x128xf32, #tpu.memory_space<vmem>>, vector<128x128xf32>,
    %mul3A_312 = arith.constant 16 : i32
    %mul3A_313 = arith.muli %arg0, %mul3A_312 : i32
    %add3A_314 = arith.constant 10 : i32
    %add3A_315 = arith.addi %mul3A_313, %add3A_314 : i32
    %get3A_316 = arith.index_cast %add3A_315 : i32 to index
    %get3A_317 = arith.constant 0 : index
    %get3A_318 = memref.load %arg1[%get3A_316, %get3A_317] : memref<96x1xi32, #tpu.memory_space<smem>>
    %mul3A_319 = arith.constant 128 : i32
    %mul3A_320 = arith.muli %get3A_318, %mul3A_319 : i32
    %get3A_321 = arith.index_cast %mul3A_320 : i32 to index
    %get3A_322 = arith.constant 0 : index
    %get3A_323 = vector.load %arg3[%get3A_321, %get3A_322] : memref<8192x128xf32, #tpu.memory_space<vmem>>, vector<128x128xf32>
    %get3A_324 = arith.constant 1280 : index
    %get3A_325 = arith.constant 0 : index
    %get3A_326 = vector.load %arg2[%get3A_324, %get3A_325] : memref<2048x128xf32, #tpu.memory_space<vmem>>, vector<128x128xf32>
    %dot_general3A_327 = arith.constant dense<0.000000e+00> : vector<128x128xf32>
    %dot_general3A_328 = tpu.matmul %get3A_326, %get3A_323, %dot_general3A_327 {dimension_numbers = #tpu.dot_dimension_numbers<[1], [0], [0], [1], [0, 0, 1, 1], [], []>, transpose_lhs_hint = false} : vector<128x128xf32>, vector<128x128xf32>, vector<128x128xf32> -> vector<128x128xf32>
    %iota3A_329 = tpu.iota {dimensions = array<i32: 1>} : vector<1x64xi32>
    %eq3A_330 = vector.broadcast %get3A_318 : i32 to vector<1x64xi32>
    %eq3A_331 = arith.cmpi eq, %iota3A_329, %eq3A_330 : vector<1x64xi32>
    %convert_element_type3A_332 = arith.extui %eq3A_331 : vector<1x64xi1> to vector<1x64xi32>
    %convert_element_type3A_333 = arith.sitofp %convert_element_type3A_332 : vector<1x64xi32> to vector<1x64xf32>
    %get3A_334 = arith.constant 0 : index
    %get3A_335 = arith.constant 0 : index
    %get3A_336 = vector.load %arg4[%get3A_334, %get3A_335] : memref<64x128xf32, #tpu.memory_space<vmem>>, vector<64x128xf32>
    %dot_general3A_337 = arith.constant dense<0.000000e+00> : vector<1x128xf32>
    %dot_general3A_338 = tpu.matmul %convert_element_type3A_333, %get3A_336, %dot_general3A_337 {dimension_numbers = #tpu.dot_dimension_numbers<[1], [0], [0], [1], [0, 0, 1, 1], [], []>, transpose_lhs_hint = false} : vector<1x64xf32>, vector<64x128xf32>, vector<1x128xf32> -> vector<1x128xf32>
    %add3A_339 = vector.broadcast %dot_general3A_338 : vector<1x128xf32> to vector<128x128xf32>
    %add3A_340 = arith.addf %dot_general3A_328, %add3A_339 : vector<128x128xf32>
    %swap3A_341 = arith.constant 1280 : index
    %swap3A_342 = arith.constant 0 : index
    %swap3A_343 = vector.load %arg5[%swap3A_341, %swap3A_342] : memref<2048x128xf32, #tpu.memory_space<vmem>>, vector<128x128xf32>
    tpu.vector_store %arg5[%swap3A_341, %swap3A_342], %add3A_340 {strides = array<i32>} : memref<2048x128xf32, #tpu.memory_space<vmem>>, vector<128x128xf32>,
    %mul3A_344 = arith.constant 16 : i32
    %mul3A_345 = arith.muli %arg0, %mul3A_344 : i32
    %add3A_346 = arith.constant 11 : i32
    %add3A_347 = arith.addi %mul3A_345, %add3A_346 : i32
    %get3A_348 = arith.index_cast %add3A_347 : i32 to index
    %get3A_349 = arith.constant 0 : index
    %get3A_350 = memref.load %arg1[%get3A_348, %get3A_349] : memref<96x1xi32, #tpu.memory_space<smem>>
    %mul3A_351 = arith.constant 128 : i32
    %mul3A_352 = arith.muli %get3A_350, %mul3A_351 : i32
    %get3A_353 = arith.index_cast %mul3A_352 : i32 to index
    %get3A_354 = arith.constant 0 : index
    %get3A_355 = vector.load %arg3[%get3A_353, %get3A_354] : memref<8192x128xf32, #tpu.memory_space<vmem>>, vector<128x128xf32>
    %get3A_356 = arith.constant 1408 : index
    %get3A_357 = arith.constant 0 : index
    %get3A_358 = vector.load %arg2[%get3A_356, %get3A_357] : memref<2048x128xf32, #tpu.memory_space<vmem>>, vector<128x128xf32>
    %dot_general3A_359 = arith.constant dense<0.000000e+00> : vector<128x128xf32>
    %dot_general3A_360 = tpu.matmul %get3A_358, %get3A_355, %dot_general3A_359 {dimension_numbers = #tpu.dot_dimension_numbers<[1], [0], [0], [1], [0, 0, 1, 1], [], []>, transpose_lhs_hint = false} : vector<128x128xf32>, vector<128x128xf32>, vector<128x128xf32> -> vector<128x128xf32>
    %iota3A_361 = tpu.iota {dimensions = array<i32: 1>} : vector<1x64xi32>
    %eq3A_362 = vector.broadcast %get3A_350 : i32 to vector<1x64xi32>
    %eq3A_363 = arith.cmpi eq, %iota3A_361, %eq3A_362 : vector<1x64xi32>
    %convert_element_type3A_364 = arith.extui %eq3A_363 : vector<1x64xi1> to vector<1x64xi32>
    %convert_element_type3A_365 = arith.sitofp %convert_element_type3A_364 : vector<1x64xi32> to vector<1x64xf32>
    %get3A_366 = arith.constant 0 : index
    %get3A_367 = arith.constant 0 : index
    %get3A_368 = vector.load %arg4[%get3A_366, %get3A_367] : memref<64x128xf32, #tpu.memory_space<vmem>>, vector<64x128xf32>
    %dot_general3A_369 = arith.constant dense<0.000000e+00> : vector<1x128xf32>
    %dot_general3A_370 = tpu.matmul %convert_element_type3A_365, %get3A_368, %dot_general3A_369 {dimension_numbers = #tpu.dot_dimension_numbers<[1], [0], [0], [1], [0, 0, 1, 1], [], []>, transpose_lhs_hint = false} : vector<1x64xf32>, vector<64x128xf32>, vector<1x128xf32> -> vector<1x128xf32>
    %add3A_371 = vector.broadcast %dot_general3A_370 : vector<1x128xf32> to vector<128x128xf32>
    %add3A_372 = arith.addf %dot_general3A_360, %add3A_371 : vector<128x128xf32>
    %swap3A_373 = arith.constant 1408 : index
    %swap3A_374 = arith.constant 0 : index
    %swap3A_375 = vector.load %arg5[%swap3A_373, %swap3A_374] : memref<2048x128xf32, #tpu.memory_space<vmem>>, vector<128x128xf32>
    tpu.vector_store %arg5[%swap3A_373, %swap3A_374], %add3A_372 {strides = array<i32>} : memref<2048x128xf32, #tpu.memory_space<vmem>>, vector<128x128xf32>,
    %mul3A_376 = arith.constant 16 : i32
    %mul3A_377 = arith.muli %arg0, %mul3A_376 : i32
    %add3A_378 = arith.constant 12 : i32
    %add3A_379 = arith.addi %mul3A_377, %add3A_378 : i32
    %get3A_380 = arith.index_cast %add3A_379 : i32 to index
    %get3A_381 = arith.constant 0 : index
    %get3A_382 = memref.load %arg1[%get3A_380, %get3A_381] : memref<96x1xi32, #tpu.memory_space<smem>>
    %mul3A_383 = arith.constant 128 : i32
    %mul3A_384 = arith.muli %get3A_382, %mul3A_383 : i32
    %get3A_385 = arith.index_cast %mul3A_384 : i32 to index
    %get3A_386 = arith.constant 0 : index
    %get3A_387 = vector.load %arg3[%get3A_385, %get3A_386] : memref<8192x128xf32, #tpu.memory_space<vmem>>, vector<128x128xf32>
    %get3A_388 = arith.constant 1536 : index
    %get3A_389 = arith.constant 0 : index
    %get3A_390 = vector.load %arg2[%get3A_388, %get3A_389] : memref<2048x128xf32, #tpu.memory_space<vmem>>, vector<128x128xf32>
    %dot_general3A_391 = arith.constant dense<0.000000e+00> : vector<128x128xf32>
    %dot_general3A_392 = tpu.matmul %get3A_390, %get3A_387, %dot_general3A_391 {dimension_numbers = #tpu.dot_dimension_numbers<[1], [0], [0], [1], [0, 0, 1, 1], [], []>, transpose_lhs_hint = false} : vector<128x128xf32>, vector<128x128xf32>, vector<128x128xf32> -> vector<128x128xf32>
    %iota3A_393 = tpu.iota {dimensions = array<i32: 1>} : vector<1x64xi32>
    %eq3A_394 = vector.broadcast %get3A_382 : i32 to vector<1x64xi32>
    %eq3A_395 = arith.cmpi eq, %iota3A_393, %eq3A_394 : vector<1x64xi32>
    %convert_element_type3A_396 = arith.extui %eq3A_395 : vector<1x64xi1> to vector<1x64xi32>
    %convert_element_type3A_397 = arith.sitofp %convert_element_type3A_396 : vector<1x64xi32> to vector<1x64xf32>
    %get3A_398 = arith.constant 0 : index
    %get3A_399 = arith.constant 0 : index
    %get3A_400 = vector.load %arg4[%get3A_398, %get3A_399] : memref<64x128xf32, #tpu.memory_space<vmem>>, vector<64x128xf32>
    %dot_general3A_401 = arith.constant dense<0.000000e+00> : vector<1x128xf32>
    %dot_general3A_402 = tpu.matmul %convert_element_type3A_397, %get3A_400, %dot_general3A_401 {dimension_numbers = #tpu.dot_dimension_numbers<[1], [0], [0], [1], [0, 0, 1, 1], [], []>, transpose_lhs_hint = false} : vector<1x64xf32>, vector<64x128xf32>, vector<1x128xf32> -> vector<1x128xf32>
    %add3A_403 = vector.broadcast %dot_general3A_402 : vector<1x128xf32> to vector<128x128xf32>
    %add3A_404 = arith.addf %dot_general3A_392, %add3A_403 : vector<128x128xf32>
    %swap3A_405 = arith.constant 1536 : index
    %swap3A_406 = arith.constant 0 : index
    %swap3A_407 = vector.load %arg5[%swap3A_405, %swap3A_406] : memref<2048x128xf32, #tpu.memory_space<vmem>>, vector<128x128xf32>
    tpu.vector_store %arg5[%swap3A_405, %swap3A_406], %add3A_404 {strides = array<i32>} : memref<2048x128xf32, #tpu.memory_space<vmem>>, vector<128x128xf32>,
    %mul3A_408 = arith.constant 16 : i32
    %mul3A_409 = arith.muli %arg0, %mul3A_408 : i32
    %add3A_410 = arith.constant 13 : i32
    %add3A_411 = arith.addi %mul3A_409, %add3A_410 : i32
    %get3A_412 = arith.index_cast %add3A_411 : i32 to index
    %get3A_413 = arith.constant 0 : index
    %get3A_414 = memref.load %arg1[%get3A_412, %get3A_413] : memref<96x1xi32, #tpu.memory_space<smem>>
    %mul3A_415 = arith.constant 128 : i32
    %mul3A_416 = arith.muli %get3A_414, %mul3A_415 : i32
    %get3A_417 = arith.index_cast %mul3A_416 : i32 to index
    %get3A_418 = arith.constant 0 : index
    %get3A_419 = vector.load %arg3[%get3A_417, %get3A_418] : memref<8192x128xf32, #tpu.memory_space<vmem>>, vector<128x128xf32>
    %get3A_420 = arith.constant 1664 : index
    %get3A_421 = arith.constant 0 : index
    %get3A_422 = vector.load %arg2[%get3A_420, %get3A_421] : memref<2048x128xf32, #tpu.memory_space<vmem>>, vector<128x128xf32>
    %dot_general3A_423 = arith.constant dense<0.000000e+00> : vector<128x128xf32>
    %dot_general3A_424 = tpu.matmul %get3A_422, %get3A_419, %dot_general3A_423 {dimension_numbers = #tpu.dot_dimension_numbers<[1], [0], [0], [1], [0, 0, 1, 1], [], []>, transpose_lhs_hint = false} : vector<128x128xf32>, vector<128x128xf32>, vector<128x128xf32> -> vector<128x128xf32>
    %iota3A_425 = tpu.iota {dimensions = array<i32: 1>} : vector<1x64xi32>
    %eq3A_426 = vector.broadcast %get3A_414 : i32 to vector<1x64xi32>
    %eq3A_427 = arith.cmpi eq, %iota3A_425, %eq3A_426 : vector<1x64xi32>
    %convert_element_type3A_428 = arith.extui %eq3A_427 : vector<1x64xi1> to vector<1x64xi32>
    %convert_element_type3A_429 = arith.sitofp %convert_element_type3A_428 : vector<1x64xi32> to vector<1x64xf32>
    %get3A_430 = arith.constant 0 : index
    %get3A_431 = arith.constant 0 : index
    %get3A_432 = vector.load %arg4[%get3A_430, %get3A_431] : memref<64x128xf32, #tpu.memory_space<vmem>>, vector<64x128xf32>
    %dot_general3A_433 = arith.constant dense<0.000000e+00> : vector<1x128xf32>
    %dot_general3A_434 = tpu.matmul %convert_element_type3A_429, %get3A_432, %dot_general3A_433 {dimension_numbers = #tpu.dot_dimension_numbers<[1], [0], [0], [1], [0, 0, 1, 1], [], []>, transpose_lhs_hint = false} : vector<1x64xf32>, vector<64x128xf32>, vector<1x128xf32> -> vector<1x128xf32>
    %add3A_435 = vector.broadcast %dot_general3A_434 : vector<1x128xf32> to vector<128x128xf32>
    %add3A_436 = arith.addf %dot_general3A_424, %add3A_435 : vector<128x128xf32>
    %swap3A_437 = arith.constant 1664 : index
    %swap3A_438 = arith.constant 0 : index
    %swap3A_439 = vector.load %arg5[%swap3A_437, %swap3A_438] : memref<2048x128xf32, #tpu.memory_space<vmem>>, vector<128x128xf32>
    tpu.vector_store %arg5[%swap3A_437, %swap3A_438], %add3A_436 {strides = array<i32>} : memref<2048x128xf32, #tpu.memory_space<vmem>>, vector<128x128xf32>,
    %mul3A_440 = arith.constant 16 : i32
    %mul3A_441 = arith.muli %arg0, %mul3A_440 : i32
    %add3A_442 = arith.constant 14 : i32
    %add3A_443 = arith.addi %mul3A_441, %add3A_442 : i32
    %get3A_444 = arith.index_cast %add3A_443 : i32 to index
    %get3A_445 = arith.constant 0 : index
    %get3A_446 = memref.load %arg1[%get3A_444, %get3A_445] : memref<96x1xi32, #tpu.memory_space<smem>>
    %mul3A_447 = arith.constant 128 : i32
    %mul3A_448 = arith.muli %get3A_446, %mul3A_447 : i32
    %get3A_449 = arith.index_cast %mul3A_448 : i32 to index
    %get3A_450 = arith.constant 0 : index
    %get3A_451 = vector.load %arg3[%get3A_449, %get3A_450] : memref<8192x128xf32, #tpu.memory_space<vmem>>, vector<128x128xf32>
    %get3A_452 = arith.constant 1792 : index
    %get3A_453 = arith.constant 0 : index
    %get3A_454 = vector.load %arg2[%get3A_452, %get3A_453] : memref<2048x128xf32, #tpu.memory_space<vmem>>, vector<128x128xf32>
    %dot_general3A_455 = arith.constant dense<0.000000e+00> : vector<128x128xf32>
    %dot_general3A_456 = tpu.matmul %get3A_454, %get3A_451, %dot_general3A_455 {dimension_numbers = #tpu.dot_dimension_numbers<[1], [0], [0], [1], [0, 0, 1, 1], [], []>, transpose_lhs_hint = false} : vector<128x128xf32>, vector<128x128xf32>, vector<128x128xf32> -> vector<128x128xf32>
    %iota3A_457 = tpu.iota {dimensions = array<i32: 1>} : vector<1x64xi32>
    %eq3A_458 = vector.broadcast %get3A_446 : i32 to vector<1x64xi32>
    %eq3A_459 = arith.cmpi eq, %iota3A_457, %eq3A_458 : vector<1x64xi32>
    %convert_element_type3A_460 = arith.extui %eq3A_459 : vector<1x64xi1> to vector<1x64xi32>
    %convert_element_type3A_461 = arith.sitofp %convert_element_type3A_460 : vector<1x64xi32> to vector<1x64xf32>
    %get3A_462 = arith.constant 0 : index
    %get3A_463 = arith.constant 0 : index
    %get3A_464 = vector.load %arg4[%get3A_462, %get3A_463] : memref<64x128xf32, #tpu.memory_space<vmem>>, vector<64x128xf32>
    %dot_general3A_465 = arith.constant dense<0.000000e+00> : vector<1x128xf32>
    %dot_general3A_466 = tpu.matmul %convert_element_type3A_461, %get3A_464, %dot_general3A_465 {dimension_numbers = #tpu.dot_dimension_numbers<[1], [0], [0], [1], [0, 0, 1, 1], [], []>, transpose_lhs_hint = false} : vector<1x64xf32>, vector<64x128xf32>, vector<1x128xf32> -> vector<1x128xf32>
    %add3A_467 = vector.broadcast %dot_general3A_466 : vector<1x128xf32> to vector<128x128xf32>
    %add3A_468 = arith.addf %dot_general3A_456, %add3A_467 : vector<128x128xf32>
    %swap3A_469 = arith.constant 1792 : index
    %swap3A_470 = arith.constant 0 : index
    %swap3A_471 = vector.load %arg5[%swap3A_469, %swap3A_470] : memref<2048x128xf32, #tpu.memory_space<vmem>>, vector<128x128xf32>
    tpu.vector_store %arg5[%swap3A_469, %swap3A_470], %add3A_468 {strides = array<i32>} : memref<2048x128xf32, #tpu.memory_space<vmem>>, vector<128x128xf32>,
    %mul3A_472 = arith.constant 16 : i32
    %mul3A_473 = arith.muli %arg0, %mul3A_472 : i32
    %add3A_474 = arith.constant 15 : i32
    %add3A_475 = arith.addi %mul3A_473, %add3A_474 : i32
    %get3A_476 = arith.index_cast %add3A_475 : i32 to index
    %get3A_477 = arith.constant 0 : index
    %get3A_478 = memref.load %arg1[%get3A_476, %get3A_477] : memref<96x1xi32, #tpu.memory_space<smem>>
    %mul3A_479 = arith.constant 128 : i32
    %mul3A_480 = arith.muli %get3A_478, %mul3A_479 : i32
    %get3A_481 = arith.index_cast %mul3A_480 : i32 to index
    %get3A_482 = arith.constant 0 : index
    %get3A_483 = vector.load %arg3[%get3A_481, %get3A_482] : memref<8192x128xf32, #tpu.memory_space<vmem>>, vector<128x128xf32>
    %get3A_484 = arith.constant 1920 : index
    %get3A_485 = arith.constant 0 : index
    %get3A_486 = vector.load %arg2[%get3A_484, %get3A_485] : memref<2048x128xf32, #tpu.memory_space<vmem>>, vector<128x128xf32>
    %dot_general3A_487 = arith.constant dense<0.000000e+00> : vector<128x128xf32>
    %dot_general3A_488 = tpu.matmul %get3A_486, %get3A_483, %dot_general3A_487 {dimension_numbers = #tpu.dot_dimension_numbers<[1], [0], [0], [1], [0, 0, 1, 1], [], []>, transpose_lhs_hint = false} : vector<128x128xf32>, vector<128x128xf32>, vector<128x128xf32> -> vector<128x128xf32>
    %iota3A_489 = tpu.iota {dimensions = array<i32: 1>} : vector<1x64xi32>
    %eq3A_490 = vector.broadcast %get3A_478 : i32 to vector<1x64xi32>
    %eq3A_491 = arith.cmpi eq, %iota3A_489, %eq3A_490 : vector<1x64xi32>
    %convert_element_type3A_492 = arith.extui %eq3A_491 : vector<1x64xi1> to vector<1x64xi32>
    %convert_element_type3A_493 = arith.sitofp %convert_element_type3A_492 : vector<1x64xi32> to vector<1x64xf32>
    %get3A_494 = arith.constant 0 : index
    %get3A_495 = arith.constant 0 : index
    %get3A_496 = vector.load %arg4[%get3A_494, %get3A_495] : memref<64x128xf32, #tpu.memory_space<vmem>>, vector<64x128xf32>
    %dot_general3A_497 = arith.constant dense<0.000000e+00> : vector<1x128xf32>
    %dot_general3A_498 = tpu.matmul %convert_element_type3A_493, %get3A_496, %dot_general3A_497 {dimension_numbers = #tpu.dot_dimension_numbers<[1], [0], [0], [1], [0, 0, 1, 1], [], []>, transpose_lhs_hint = false} : vector<1x64xf32>, vector<64x128xf32>, vector<1x128xf32> -> vector<1x128xf32>
    %add3A_499 = vector.broadcast %dot_general3A_498 : vector<1x128xf32> to vector<128x128xf32>
    %add3A_500 = arith.addf %dot_general3A_488, %add3A_499 : vector<128x128xf32>
    %swap3A_501 = arith.constant 1920 : index
    %swap3A_502 = arith.constant 0 : index
    %swap3A_503 = vector.load %arg5[%swap3A_501, %swap3A_502] : memref<2048x128xf32, #tpu.memory_space<vmem>>, vector<128x128xf32>
    tpu.vector_store %arg5[%swap3A_501, %swap3A_502], %add3A_500 {strides = array<i32>} : memref<2048x128xf32, #tpu.memory_space<vmem>>, vector<128x128xf32>,
    return
  }
  func.func @transform_0(%arg0: i32) -> (i32, i32) {
    %c0_i32 = arith.constant 0 : i32
    %c0_i32_0 = arith.constant 0 : i32
    %c0_i32_1 = arith.constant 0 : i32
    return %c0_i32, %c0_i32_0 : i32, i32
  }
  func.func @transform_1(%arg0: i32) -> (i32, i32) {
    %c0_i32 = arith.constant 0 : i32
    %c0_i32_0 = arith.constant 0 : i32
    return %arg0, %c0_i32 : i32, i32
  }
  func.func @transform_2(%arg0: i32) -> (i32, i32) {
    %c0_i32 = arith.constant 0 : i32
    %c0_i32_0 = arith.constant 0 : i32
    %c0_i32_1 = arith.constant 0 : i32
    return %c0_i32, %c0_i32_0 : i32, i32
  }
  func.func @transform_3(%arg0: i32) -> (i32, i32) {
    %c0_i32 = arith.constant 0 : i32
    %c0_i32_0 = arith.constant 0 : i32
    %c0_i32_1 = arith.constant 0 : i32
    return %c0_i32, %c0_i32_0 : i32, i32
  }
  func.func @transform_4(%arg0: i32) -> (i32, i32) {
    %c0_i32 = arith.constant 0 : i32
    %c0_i32_0 = arith.constant 0 : i32
    return %arg0, %c0_i32 : i32, i32
  }
}

module attributes {stable_mosaic.version = 14 : i64} {
  func.func @_route_body(%arg0: i32, %arg1: memref<1024x768xf32, #tpu.memory_space<vmem>>, %arg2: memref<768x128xf32, #tpu.memory_space<vmem>>, %arg3: memref<1x128xf32, #tpu.memory_space<vmem>>, %arg4: memref<768x64xf32, #tpu.memory_space<vmem>>, %arg5: memref<1x64xf32, #tpu.memory_space<vmem>>, %arg6: memref<1024x128xf32, #tpu.memory_space<vmem>>, %arg7: memref<4096x1xi32, #tpu.memory_space<vmem>>, %arg8: memref<96x1xi32, #tpu.memory_space<vmem>>, %arg9: memref<1024x1024xf32, #tpu.memory_space<vmem>>, %arg10: memref<1x64xf32, #tpu.memory_space<vmem>>, %arg11: memref<4096x128xf32, #tpu.memory_space<vmem>>) attributes {dimension_semantics = [#tpu.dimension_semantics<arbitrary>], iteration_bounds = array<i64: 5>, scalar_prefetch = 0 : i64, scratch_operands = 3 : i64, tpu.core_type = #tpu.core_type<tc>, window_params = [{transform_indices = @transform_0, window_bounds = array<i64: 1024, 768>}, {pipeline_mode = #tpu.pipeline_mode<synchronous>, transform_indices = @transform_1, window_bounds = array<i64: 768, 128>}, {pipeline_mode = #tpu.pipeline_mode<synchronous>, transform_indices = @transform_2, window_bounds = array<i64: 1, 128>}, {pipeline_mode = #tpu.pipeline_mode<synchronous>, transform_indices = @transform_3, window_bounds = array<i64: 768, 64>}, {pipeline_mode = #tpu.pipeline_mode<synchronous>, transform_indices = @transform_4, window_bounds = array<i64: 1, 64>}, {transform_indices = @transform_5, window_bounds = array<i64: 1024, 128>}, {pipeline_mode = #tpu.pipeline_mode<synchronous>, transform_indices = @transform_6, window_bounds = array<i64: 4096, 1>}, {pipeline_mode = #tpu.pipeline_mode<synchronous>, transform_indices = @transform_7, window_bounds = array<i64: 96, 1>}]} {
    %eq3A = arith.constant 0 : i32
    %eq3A_0 = arith.cmpi eq, %arg0, %eq3A : i32
    %convert_element_type3A = arith.extui %eq3A_0 : i1 to i32
    %cond3A = arith.constant 0 : i32
    %cond3A_1 = arith.cmpi ne, %convert_element_type3A, %cond3A : i32
    scf.if %cond3A_1 {
      %iota3A = tpu.iota {dimensions = array<i32: 0>} : vector<1024x1024xi32>
      %iota3A_11 = tpu.iota {dimensions = array<i32: 1>} : vector<1024x1024xi32>
      %lt3A_12 = arith.cmpi slt, %iota3A_11, %iota3A : vector<1024x1024xi32>
      %convert_element_type3A_13 = arith.extui %lt3A_12 : vector<1024x1024xi1> to vector<1024x1024xi32>
      %convert_element_type3A_14 = arith.sitofp %convert_element_type3A_13 : vector<1024x1024xi32> to vector<1024x1024xf32>
      %swap3A = arith.constant 0 : index
      %swap3A_15 = arith.constant 0 : index
      %swap3A_16 = vector.load %arg9[%swap3A, %swap3A_15] : memref<1024x1024xf32, #tpu.memory_space<vmem>>, vector<1024x1024xf32>
      tpu.vector_store %arg9[%swap3A, %swap3A_15], %convert_element_type3A_14 {strides = array<i32>} : memref<1024x1024xf32, #tpu.memory_space<vmem>>, vector<1024x1024xf32>,
      %broadcast_in_dim3A = arith.constant 0.000000e+00 : f32
      %broadcast_in_dim3A_17 = vector.broadcast %broadcast_in_dim3A : f32 to vector<1x64xf32>
      %swap3A_18 = arith.constant 0 : index
      %swap3A_19 = arith.constant 0 : index
      %swap3A_20 = vector.load %arg10[%swap3A_18, %swap3A_19] : memref<1x64xf32, #tpu.memory_space<vmem>>, vector<1x64xf32>
      tpu.vector_store %arg10[%swap3A_18, %swap3A_19], %broadcast_in_dim3A_17 {strides = array<i32>} : memref<1x64xf32, #tpu.memory_space<vmem>>, vector<1x64xf32>,
    } else {
    }
    %lt3A = arith.constant 4 : i32
    %lt3A_2 = arith.cmpi slt, %arg0, %lt3A : i32
    %convert_element_type3A_3 = arith.extui %lt3A_2 : i1 to i32
    %cond3A_4 = arith.constant 0 : i32
    %cond3A_5 = arith.cmpi ne, %convert_element_type3A_3, %cond3A_4 : i32
    scf.if %cond3A_5 {
      %get3A = arith.constant 0 : index
      %get3A_11 = arith.constant 0 : index
      %get3A_12 = vector.load %arg1[%get3A, %get3A_11] : memref<1024x768xf32, #tpu.memory_space<vmem>>, vector<1024x768xf32>
      %get3A_13 = arith.constant 0 : index
      %get3A_14 = arith.constant 0 : index
      %get3A_15 = vector.load %arg2[%get3A_13, %get3A_14] : memref<768x128xf32, #tpu.memory_space<vmem>>, vector<768x128xf32>
      %dot_general3A = arith.constant dense<0.000000e+00> : vector<1024x128xf32>
      %dot_general3A_16 = tpu.matmul %get3A_12, %get3A_15, %dot_general3A {dimension_numbers = #tpu.dot_dimension_numbers<[1], [0], [0], [1], [0, 0, 1, 1], [], []>, transpose_lhs_hint = false} : vector<1024x768xf32>, vector<768x128xf32>, vector<1024x128xf32> -> vector<1024x128xf32>
      %get3A_17 = arith.constant 0 : index
      %get3A_18 = arith.constant 0 : index
      %get3A_19 = vector.load %arg3[%get3A_17, %get3A_18] : memref<1x128xf32, #tpu.memory_space<vmem>>, vector<1x128xf32>
      %add3A = vector.broadcast %get3A_19 : vector<1x128xf32> to vector<1024x128xf32>
      %add3A_20 = arith.addf %dot_general3A_16, %add3A : vector<1024x128xf32>
      %max3A = arith.constant 0.000000e+00 : f32
      %max3A_21 = vector.broadcast %max3A : f32 to vector<1024x128xf32>
      %max3A_22 = arith.maximumf %add3A_20, %max3A_21 : vector<1024x128xf32>
      %swap3A = arith.constant 0 : index
      %swap3A_23 = arith.constant 0 : index
      %swap3A_24 = vector.load %arg6[%swap3A, %swap3A_23] : memref<1024x128xf32, #tpu.memory_space<vmem>>, vector<1024x128xf32>
      tpu.vector_store %arg6[%swap3A, %swap3A_23], %max3A_22 {strides = array<i32>} : memref<1024x128xf32, #tpu.memory_space<vmem>>, vector<1024x128xf32>,
      %get3A_25 = arith.constant 0 : index
      %get3A_26 = arith.constant 0 : index
      %get3A_27 = vector.load %arg4[%get3A_25, %get3A_26] : memref<768x64xf32, #tpu.memory_space<vmem>>, vector<768x64xf32>
      %dot_general3A_28 = arith.constant dense<0.000000e+00> : vector<1024x64xf32>
      %dot_general3A_29 = tpu.matmul %get3A_12, %get3A_27, %dot_general3A_28 {dimension_numbers = #tpu.dot_dimension_numbers<[1], [0], [0], [1], [0, 0, 1, 1], [], []>, transpose_lhs_hint = false} : vector<1024x768xf32>, vector<768x64xf32>, vector<1024x64xf32> -> vector<1024x64xf32>
      %get3A_30 = arith.constant 0 : index
      %get3A_31 = arith.constant 0 : index
      %get3A_32 = vector.load %arg5[%get3A_30, %get3A_31] : memref<1x64xf32, #tpu.memory_space<vmem>>, vector<1x64xf32>
      %add3A_33 = vector.broadcast %get3A_32 : vector<1x64xf32> to vector<1024x64xf32>
      %add3A_34 = arith.addf %dot_general3A_29, %add3A_33 : vector<1024x64xf32>
      %reduce_max3A = arith.constant dense<0xFF800000> : vector<1024xf32>
      %reduce_max3A_35 = vector.multi_reduction <maximumf>, %add3A_34, %reduce_max3A [1] : vector<1024x64xf32> to vector<1024xf32>
      %broadcast_in_dim3A = vector.shape_cast %reduce_max3A_35 : vector<1024xf32> to vector<1024x1xf32>
      %iota3A = tpu.iota {dimensions = array<i32: 1>} : vector<1024x64xi32>
      %eq3A_36 = vector.broadcast %broadcast_in_dim3A : vector<1024x1xf32> to vector<1024x64xf32>
      %eq3A_37 = arith.cmpf oeq, %add3A_34, %eq3A_36 : vector<1024x64xf32>
      %jit3A = arith.constant 64 : i32
      %broadcast_in_dim3A_38 = vector.broadcast %jit3A : i32 to vector<1024x64xi32>
      %select_n3A = arith.select %eq3A_37, %iota3A, %broadcast_in_dim3A_38 : vector<1024x64xi1>, vector<1024x64xi32>
      %reduce_min3A = arith.constant dense<2147483647> : vector<1024xi32>
      %reduce_min3A_39 = vector.multi_reduction <minsi>, %select_n3A, %reduce_min3A [1] : vector<1024x64xi32> to vector<1024xi32>
      %broadcast_in_dim3A_40 = vector.shape_cast %reduce_min3A_39 : vector<1024xi32> to vector<1024x1xi32>
      %eq3A_41 = vector.broadcast %broadcast_in_dim3A_40 : vector<1024x1xi32> to vector<1024x64xi32>
      %eq3A_42 = arith.cmpi eq, %iota3A, %eq3A_41 : vector<1024x64xi32>
      %convert_element_type3A_43 = arith.extui %eq3A_42 : vector<1024x64xi1> to vector<1024x64xi32>
      %convert_element_type3A_44 = arith.sitofp %convert_element_type3A_43 : vector<1024x64xi32> to vector<1024x64xf32>
      %get3A_45 = arith.constant 0 : index
      %get3A_46 = arith.constant 0 : index
      %get3A_47 = vector.load %arg9[%get3A_45, %get3A_46] : memref<1024x1024xf32, #tpu.memory_space<vmem>>, vector<1024x1024xf32>
      %dot_general3A_48 = arith.constant dense<0.000000e+00> : vector<1024x64xf32>
      %dot_general3A_49 = tpu.matmul %get3A_47, %convert_element_type3A_44, %dot_general3A_48 {dimension_numbers = #tpu.dot_dimension_numbers<[1], [0], [0], [1], [0, 0, 1, 1], [], []>, transpose_lhs_hint = false} : vector<1024x1024xf32>, vector<1024x64xf32>, vector<1024x64xf32> -> vector<1024x64xf32>
      %get3A_50 = arith.constant 0 : index
      %get3A_51 = arith.constant 0 : index
      %get3A_52 = vector.load %arg10[%get3A_50, %get3A_51] : memref<1x64xf32, #tpu.memory_space<vmem>>, vector<1x64xf32>
      %add3A_53 = vector.broadcast %get3A_52 : vector<1x64xf32> to vector<1024x64xf32>
      %add3A_54 = arith.addf %dot_general3A_49, %add3A_53 : vector<1024x64xf32>
      %mul3A = arith.mulf %convert_element_type3A_44, %add3A_54 : vector<1024x64xf32>
      %reduce_sum3A = arith.constant dense<0.000000e+00> : vector<1024xf32>
      %reduce_sum3A_55 = vector.multi_reduction <add>, %mul3A, %reduce_sum3A [1] : vector<1024x64xf32> to vector<1024xf32>
      %broadcast_in_dim3A_56 = vector.shape_cast %reduce_sum3A_55 : vector<1024xf32> to vector<1024x1xf32>
      %iota3A_57 = tpu.iota {dimensions = array<i32: 1>} : vector<1024x128xi32>
      %eq3A_58 = vector.broadcast %broadcast_in_dim3A_40 : vector<1024x1xi32> to vector<1024x128xi32>
      %eq3A_59 = arith.cmpi eq, %iota3A_57, %eq3A_58 : vector<1024x128xi32>
      %jit3A_60 = arith.constant 1.000000e+00 : f32
      %jit3A_61 = arith.constant 0.000000e+00 : f32
      %broadcast_in_dim3A_62 = vector.broadcast %jit3A_60 : f32 to vector<1024x128xf32>
      %broadcast_in_dim3A_63 = vector.broadcast %jit3A_61 : f32 to vector<1024x128xf32>
      %select_n3A_64 = arith.select %eq3A_59, %broadcast_in_dim3A_62, %broadcast_in_dim3A_63 : vector<1024x128xi1>, vector<1024x128xf32>
      %eq3A_65 = arith.constant 64 : i32
      %eq3A_66 = vector.broadcast %eq3A_65 : i32 to vector<1024x128xi32>
      %eq3A_67 = arith.cmpi eq, %iota3A_57, %eq3A_66 : vector<1024x128xi32>
      %jit3A_68 = arith.constant 0.000000e+00 : f32
      %broadcast_in_dim3A_69 = vector.shape_cast %broadcast_in_dim3A_56 : vector<1024x1xf32> to vector<1024x1xf32>
      %broadcast_in_dim3A_70 = vector.broadcast %broadcast_in_dim3A_69 : vector<1024x1xf32> to vector<1024x128xf32>
      %broadcast_in_dim3A_71 = vector.broadcast %jit3A_68 : f32 to vector<1024x128xf32>
      %select_n3A_72 = arith.select %eq3A_67, %broadcast_in_dim3A_70, %broadcast_in_dim3A_71 : vector<1024x128xi1>, vector<1024x128xf32>
      %add3A_73 = arith.addf %select_n3A_64, %select_n3A_72 : vector<1024x128xf32>
      %mul3A_74 = arith.constant 1024 : i32
      %mul3A_75 = arith.muli %arg0, %mul3A_74 : i32
      %swap3A_76 = arith.index_cast %mul3A_75 : i32 to index
      %swap3A_77 = arith.constant 0 : index
      %swap3A_78 = vector.load %arg11[%swap3A_76, %swap3A_77] : memref<4096x128xf32, #tpu.memory_space<vmem>>, vector<1024x128xf32>
      tpu.vector_store %arg11[%swap3A_76, %swap3A_77], %add3A_73 {strides = array<i32>} : memref<4096x128xf32, #tpu.memory_space<vmem>>, vector<1024x128xf32>,
      %get3A_79 = arith.constant 0 : index
      %get3A_80 = arith.constant 0 : index
      %get3A_81 = vector.load %arg10[%get3A_79, %get3A_80] : memref<1x64xf32, #tpu.memory_space<vmem>>, vector<1x64xf32>
      %broadcast_in_dim3A_82 = arith.constant 1.000000e+00 : f32
      %broadcast_in_dim3A_83 = vector.broadcast %broadcast_in_dim3A_82 : f32 to vector<1x1024xf32>
      %dot_general3A_84 = arith.constant dense<0.000000e+00> : vector<1x64xf32>
      %dot_general3A_85 = tpu.matmul %broadcast_in_dim3A_83, %convert_element_type3A_44, %dot_general3A_84 {dimension_numbers = #tpu.dot_dimension_numbers<[1], [0], [0], [1], [0, 0, 1, 1], [], []>, transpose_lhs_hint = false} : vector<1x1024xf32>, vector<1024x64xf32>, vector<1x64xf32> -> vector<1x64xf32>
      %add3A_86 = arith.addf %get3A_81, %dot_general3A_85 : vector<1x64xf32>
      %swap3A_87 = arith.constant 0 : index
      %swap3A_88 = arith.constant 0 : index
      %swap3A_89 = vector.load %arg10[%swap3A_87, %swap3A_88] : memref<1x64xf32, #tpu.memory_space<vmem>>, vector<1x64xf32>
      tpu.vector_store %arg10[%swap3A_87, %swap3A_88], %add3A_86 {strides = array<i32>} : memref<1x64xf32, #tpu.memory_space<vmem>>, vector<1x64xf32>,
    } else {
    }
    %eq3A_6 = arith.constant 4 : i32
    %eq3A_7 = arith.cmpi eq, %arg0, %eq3A_6 : i32
    %convert_element_type3A_8 = arith.extui %eq3A_7 : i1 to i32
    %cond3A_9 = arith.constant 0 : i32
    %cond3A_10 = arith.cmpi ne, %convert_element_type3A_8, %cond3A_9 : i32
    scf.if %cond3A_10 {
      %get3A = arith.constant 0 : index
      %get3A_11 = arith.constant 0 : index
      %get3A_12 = vector.load %arg10[%get3A, %get3A_11] : memref<1x64xf32, #tpu.memory_space<vmem>>, vector<1x64xf32>
      %convert_element_type3A_13 = arith.fptosi %get3A_12 : vector<1x64xf32> to vector<1x64xi32>
      %add3A = arith.constant 127 : i32
      %add3A_14 = vector.broadcast %add3A : i32 to vector<1x64xi32>
      %add3A_15 = arith.addi %convert_element_type3A_13, %add3A_14 : vector<1x64xi32>
      %shift_right_arithmetic3A = arith.constant 7 : i32
      %shift_right_arithmetic3A_16 = vector.broadcast %shift_right_arithmetic3A : i32 to vector<1x64xi32>
      %shift_right_arithmetic3A_17 = arith.shrsi %add3A_15, %shift_right_arithmetic3A_16 : vector<1x64xi32>
      %shift_left3A = arith.constant 7 : i32
      %shift_left3A_18 = vector.broadcast %shift_left3A : i32 to vector<1x64xi32>
      %shift_left3A_19 = arith.shli %shift_right_arithmetic3A_17, %shift_left3A_18 : vector<1x64xi32>
      %iota3A = tpu.iota {dimensions = array<i32: 0>} : vector<64x128xi32>
      %iota3A_20 = tpu.iota {dimensions = array<i32: 1>} : vector<64x128xi32>
      %lt3A_21 = arith.cmpi slt, %iota3A, %iota3A_20 : vector<64x128xi32>
      %lt3A_22 = arith.constant 64 : i32
      %lt3A_23 = vector.broadcast %lt3A_22 : i32 to vector<64x128xi32>
      %lt3A_24 = arith.cmpi slt, %iota3A_20, %lt3A_23 : vector<64x128xi32>
      %and3A = arith.andi %lt3A_21, %lt3A_24 : vector<64x128xi1>
      %convert_element_type3A_25 = arith.extui %and3A : vector<64x128xi1> to vector<64x128xi32>
      %convert_element_type3A_26 = arith.sitofp %convert_element_type3A_25 : vector<64x128xi32> to vector<64x128xf32>
      %convert_element_type3A_27 = arith.sitofp %shift_left3A_19 : vector<1x64xi32> to vector<1x64xf32>
      %dot_general3A = arith.constant dense<0.000000e+00> : vector<1x128xf32>
      %dot_general3A_28 = tpu.matmul %convert_element_type3A_27, %convert_element_type3A_26, %dot_general3A {dimension_numbers = #tpu.dot_dimension_numbers<[1], [0], [0], [1], [0, 0, 1, 1], [], []>, transpose_lhs_hint = false} : vector<1x64xf32>, vector<64x128xf32>, vector<1x128xf32> -> vector<1x128xf32>
      %iota3A_29 = tpu.iota {dimensions = array<i32: 1>} : vector<1x128xi32>
      %eq3A_30 = arith.constant 64 : i32
      %eq3A_31 = vector.broadcast %eq3A_30 : i32 to vector<1x128xi32>
      %eq3A_32 = arith.cmpi eq, %iota3A_29, %eq3A_31 : vector<1x128xi32>
      %jit3A = arith.constant 1.000000e+00 : f32
      %jit3A_33 = arith.constant 0.000000e+00 : f32
      %broadcast_in_dim3A = vector.broadcast %jit3A : f32 to vector<1x128xf32>
      %broadcast_in_dim3A_34 = vector.broadcast %jit3A_33 : f32 to vector<1x128xf32>
      %select_n3A = arith.select %eq3A_32, %broadcast_in_dim3A, %broadcast_in_dim3A_34 : vector<1x128xi1>, vector<1x128xf32>
      %add3A_35 = arith.addf %dot_general3A_28, %select_n3A : vector<1x128xf32>
      %broadcast_in_dim3A_36 = arith.constant 1.000000e+00 : f32
      %broadcast_in_dim3A_37 = vector.broadcast %broadcast_in_dim3A_36 : f32 to vector<128x1xf32>
      %get3A_38 = arith.constant 0 : index
      %get3A_39 = arith.constant 0 : index
      %get3A_40 = vector.load %arg11[%get3A_38, %get3A_39] : memref<4096x128xf32, #tpu.memory_space<vmem>>, vector<4096x128xf32>
      %mul3A = vector.broadcast %add3A_35 : vector<1x128xf32> to vector<4096x128xf32>
      %mul3A_41 = arith.mulf %get3A_40, %mul3A : vector<4096x128xf32>
      %dot_general3A_42 = arith.constant dense<0.000000e+00> : vector<4096x1xf32>
      %dot_general3A_43 = tpu.matmul %mul3A_41, %broadcast_in_dim3A_37, %dot_general3A_42 {dimension_numbers = #tpu.dot_dimension_numbers<[1], [0], [0], [1], [0, 0, 1, 1], [], []>, transpose_lhs_hint = false} : vector<4096x128xf32>, vector<128x1xf32>, vector<4096x1xf32> -> vector<4096x1xf32>
      %convert_element_type3A_44 = arith.fptosi %dot_general3A_43 : vector<4096x1xf32> to vector<4096x1xi32>
      %swap3A = arith.constant 0 : index
      %swap3A_45 = arith.constant 0 : index
      %swap3A_46 = vector.load %arg7[%swap3A, %swap3A_45] : memref<4096x1xi32, #tpu.memory_space<vmem>>, vector<4096x1xi32>
      tpu.vector_store %arg7[%swap3A, %swap3A_45], %convert_element_type3A_44 {strides = array<i32>} : memref<4096x1xi32, #tpu.memory_space<vmem>>, vector<4096x1xi32>,
      %iota3A_47 = tpu.iota {dimensions = array<i32: 0>} : vector<96x64xi32>
      %mul3A_48 = arith.constant 128 : i32
      %mul3A_49 = vector.broadcast %mul3A_48 : i32 to vector<96x64xi32>
      %mul3A_50 = arith.muli %iota3A_47, %mul3A_49 : vector<96x64xi32>
      %convert_element_type3A_51 = arith.sitofp %mul3A_50 : vector<96x64xi32> to vector<96x64xf32>
      %slice3A = vector.extract_strided_slice %dot_general3A_28 {offsets = [0, 0], sizes = [1, 64], strides = [1, 1]} : vector<1x128xf32> to vector<1x64xf32>
      %le3A = vector.broadcast %slice3A : vector<1x64xf32> to vector<96x64xf32>
      %le3A_52 = arith.cmpf ole, %le3A, %convert_element_type3A_51 : vector<96x64xf32>
      %convert_element_type3A_53 = arith.extui %le3A_52 : vector<96x64xi1> to vector<96x64xi32>
      %convert_element_type3A_54 = arith.sitofp %convert_element_type3A_53 : vector<96x64xi32> to vector<96x64xf32>
      %slice3A_55 = vector.extract_strided_slice %broadcast_in_dim3A_37 {offsets = [0, 0], sizes = [64, 1], strides = [1, 1]} : vector<128x1xf32> to vector<64x1xf32>
      %dot_general3A_56 = arith.constant dense<0.000000e+00> : vector<96x1xf32>
      %dot_general3A_57 = tpu.matmul %convert_element_type3A_54, %slice3A_55, %dot_general3A_56 {dimension_numbers = #tpu.dot_dimension_numbers<[1], [0], [0], [1], [0, 0, 1, 1], [], []>, transpose_lhs_hint = false} : vector<96x64xf32>, vector<64x1xf32>, vector<96x1xf32> -> vector<96x1xf32>
      %convert_element_type3A_58 = arith.fptosi %dot_general3A_57 : vector<96x1xf32> to vector<96x1xi32>
      %sub3A = arith.constant 1 : i32
      %sub3A_59 = vector.broadcast %sub3A : i32 to vector<96x1xi32>
      %sub3A_60 = arith.subi %convert_element_type3A_58, %sub3A_59 : vector<96x1xi32>
      %swap3A_61 = arith.constant 0 : index
      %swap3A_62 = arith.constant 0 : index
      %swap3A_63 = vector.load %arg8[%swap3A_61, %swap3A_62] : memref<96x1xi32, #tpu.memory_space<vmem>>, vector<96x1xi32>
      tpu.vector_store %arg8[%swap3A_61, %swap3A_62], %sub3A_60 {strides = array<i32>} : memref<96x1xi32, #tpu.memory_space<vmem>>, vector<96x1xi32>,
    } else {
    }
    return
  }
  func.func @transform_0(%arg0: i32) -> (i32, i32) {
    %min3A = arith.constant 3 : i32
    %min3A_0 = arith.minsi %arg0, %min3A : i32
    %c0_i32 = arith.constant 0 : i32
    %c0_i32_1 = arith.constant 0 : i32
    return %min3A_0, %c0_i32 : i32, i32
  }
  func.func @transform_1(%arg0: i32) -> (i32, i32) {
    %c0_i32 = arith.constant 0 : i32
    %c0_i32_0 = arith.constant 0 : i32
    %c0_i32_1 = arith.constant 0 : i32
    return %c0_i32, %c0_i32_0 : i32, i32
  }
  func.func @transform_2(%arg0: i32) -> (i32, i32) {
    %c0_i32 = arith.constant 0 : i32
    %c0_i32_0 = arith.constant 0 : i32
    %c0_i32_1 = arith.constant 0 : i32
    return %c0_i32, %c0_i32_0 : i32, i32
  }
  func.func @transform_3(%arg0: i32) -> (i32, i32) {
    %c0_i32 = arith.constant 0 : i32
    %c0_i32_0 = arith.constant 0 : i32
    %c0_i32_1 = arith.constant 0 : i32
    return %c0_i32, %c0_i32_0 : i32, i32
  }
  func.func @transform_4(%arg0: i32) -> (i32, i32) {
    %c0_i32 = arith.constant 0 : i32
    %c0_i32_0 = arith.constant 0 : i32
    %c0_i32_1 = arith.constant 0 : i32
    return %c0_i32, %c0_i32_0 : i32, i32
  }
  func.func @transform_5(%arg0: i32) -> (i32, i32) {
    %min3A = arith.constant 3 : i32
    %min3A_0 = arith.minsi %arg0, %min3A : i32
    %c0_i32 = arith.constant 0 : i32
    %c0_i32_1 = arith.constant 0 : i32
    return %min3A_0, %c0_i32 : i32, i32
  }
  func.func @transform_6(%arg0: i32) -> (i32, i32) {
    %c0_i32 = arith.constant 0 : i32
    %c0_i32_0 = arith.constant 0 : i32
    %c0_i32_1 = arith.constant 0 : i32
    return %c0_i32, %c0_i32_0 : i32, i32
  }
  func.func @transform_7(%arg0: i32) -> (i32, i32) {
    %c0_i32 = arith.constant 0 : i32
    %c0_i32_0 = arith.constant 0 : i32
    %c0_i32_1 = arith.constant 0 : i32
    return %c0_i32, %c0_i32_0 : i32, i32
  }
}

</mosaic_0001>

<sc_bundles>
// kernel: gather_offload_async_start
scs
__scs_entry_jumppad:
0x0: {  	(pc) =	sbr.rel $0x88, $3  }
0x1: {  	(tag) =	ssettag $0x0;
	lr =	simm.s32 $0x1  }
0x2: {  	[smem:$0x3F9A] =	sst lr;
	_ =	strace $0xD0000000  }
0x3: {  	_ = 	snop  }
0x4: {  	_ = 	snop  }
0x5: {  	_ = 	snop  }
0x6: {  	_ = 	snop  }
0x7: {  	_ = 	snop  }
__scs_overlays_trampoline_lowered:
0x8: {  	[smem:$0x3FA9] =	sst s0  }
0x9: {  	[smem:$0x3FAA] =	sst s1  }
0xa: {  	[smem:$0x3FAB] =	sst s2  }
0xb: {  	[smem:$0x3FAC] =	sst s3  }
0xc: {  	[smem:$0x3FAD] =	sst s4  }
0xd: {  	[smem:$0x3FAE] =	sst s5  }
0xe: {  	[smem:$0x3FAF] =	sst s6  }
0xf: {  	[smem:$0x3FB0] =	sst s7  }
0x10: {  	[smem:$0x3FB1] =	sst s8  }
0x11: {  	[smem:$0x3FB2] =	sst s9;
	s0 =	simm.s32 @!p0 $0x0  }
0x12: {  	s1 =	sld [smem:$0x3F98];
	s0 =	simm.s32 @p0 $0x1  }
0x13: {  	[smem:$0x3FB3] =	sst s0;
	s0 =	simm.s32 @!p1 $0x0  }
0x14: {  	s2 =	sld [smem:$0x3F97];
	s0 =	simm.s32 @p1 $0x1  }
0x15: {  	[smem:$0x3FB4] =	sst s0;
	s0 =	simm.s32 @!p2 $0x0  }
0x16: {  	s3 =	sld [smem:$0x3FDB];
	s0 =	simm.s32 @p2 $0x1  }
0x17: {  	s4 =	simm.s32 $0x1BF5;
	[smem:$0x3FB6] =	sst s0  }
0x18: {  	s0 =	sld [smem:$0x3F99];
	_ =	swait.ge [sflag:s4], $0x0  }
0x19: {  	s7 =	sld [smem:$0x3F9A]  }
0x1a: {  	s8 =	sadd.s32 $0xFFFFE003, lr  }
0x1b: {  	s9 =	sadd.s32 $0xFFFFFEF7, lr;
	s5 =	simm.s32 $0xFFFFFFFF;
	p2 =	slt.u32 s8, $0xFFFFF086  }
0x1c: {  	p1 =	slt.u32 s9, $0xF7A;
	s5 =	simm.s32 @!p2 $0x0  }
0x1d: {  	s5 =	simm.s32 @p1 $0x1;
	p0 =	seq.s32 s7, s2  }
0x1e: {  	s7 =	smul.u32 @!p0 $0xF7A, s2;
	p2 =	seq.s32 @!p0 s5, $0x0  }
0x1f: {  	s9 =	smul.u32 $0xF7A, s1;
	s8 =	simm.s32 @!p0 $0x1BF5;
	p2 =	por !p2, p0  }
0x20: {  	[sflag:s8] =	ssyncset.s32 @!p0 $0xFFFFF086;
	s6 =	sadd.s32 @!p0 s3, s7;
	s7 =	simm.s32 @!p0 $0x108  }
0x21: {  	s3 =	sadd.s32 s3, s9;
	s6 =	sadd.s32 @!p0 $0x88, s6;
	s7 =	simm.s32 @p2 $0x1082  }
0x22: {  	[simem:s7], [sflag:s8] =	dma.local @!p0 [hbm:s6], $0xF7A  }
0x23: {  	s9 =	sor.u32 $0xD0000000, s2;
	s6 =	simm.s32 $0x108;
	_ =	swait.ge @!p0 [sflag:s8], $0x0  }
0x24: {  	s3 =	sadd.s32 $0x88, s3;
	s6 =	simm.s32 @!p1 $0x1082;
	[sflag:s4] =	ssyncset.s32 $0xFFFFF086  }
0x25: {  	[simem:s6], [sflag:s4] =	dma.local [hbm:s3], $0xF7A  }
0x26: {  	[smem:$0x3F9A] =	sst s1;
	(tag) =	ssettag s2;
	_ =	strace s9  }
0x27: {  	s1 =	sld [smem:$0x3FAA]  }
0x28: {  	s2 =	sld [smem:$0x3FAB]  }
0x29: {  	s4 =	sld [smem:$0x3FAD]  }
0x2a: {  	p0 =	seq.s32 s5, $0x0;
	s5 =	sld [smem:$0x3FAE]  }
0x2b: {  	s6 =	sld [smem:$0x3FAF]  }
0x2c: {  	s7 =	sld [smem:$0x3FB0]  }
0x2d: {  	s3 =	simm.s32 $0x108;
	s8 =	sld [smem:$0x3FB1]  }
0x2e: {  	s3 =	simm.s32 @!p0 $0x1082;
	s9 =	sld [smem:$0x3FB2]  }
0x2f: {  	lr =	sadd.s32 s0, s3;
	s0 =	sld [smem:$0x3FA9]  }
0x30: {  	s3 =	sld [smem:$0x3FAC]  }
0x31: {  	[smem:$0x3FB5] =	sst s10  }
0x32: {  	s10 =	sld [smem:$0x3FB3];
	_ =	sdelay $0x3  }
0x33: {  	p0 =	seq.s32 s10, $0x1;
	s10 =	sld [smem:$0x3FB5];
	_ =	sdelay $0x3  }
0x34: {  	[smem:$0x3FB5] =	sst s10  }
0x35: {  	s10 =	sld [smem:$0x3FB4];
	_ =	sdelay $0x3  }
0x36: {  	p1 =	seq.s32 s10, $0x1;
	s10 =	sld [smem:$0x3FB5];
	_ =	sdelay $0x3  }
0x37: {  	[smem:$0x3FB5] =	sst s10  }
0x38: {  	s10 =	sld [smem:$0x3FB6]  }
0x39: {  	_ = 	snop;
	(pc) =	sbr.ind lr, $3  }
0x3a: {  	_ = 	snop  }
0x3b: {  	_ = 	snop  }
0x3c: {  	p2 =	seq.s32 s10, $0x1;
	s10 =	sld [smem:$0x3FB5]  }
0x3d: {  	_ =	shalt  }
0x3e: {  	_ =	shalt  }
0x3f: {  	_ =	shalt  }
0x40: {  	_ =	shalt  }
0x41: {  	_ =	shalt  }
0x42: {  	_ =	shalt  }
0x43: {  	_ =	shalt  }
0x44: {  	_ =	shalt  }
0x45: {  	_ =	shalt  }
0x46: {  	_ =	shalt  }
0x47: {  	_ =	shalt  }
0x48: {  	_ =	shalt  }
0x49: {  	_ =	shalt  }
0x4a: {  	_ =	shalt  }
0x4b: {  	_ =	shalt  }
0x4c: {  	_ =	shalt  }
0x4d: {  	_ =	shalt  }
0x4e: {  	_ =	shalt  }
0x4f: {  	_ =	shalt  }
0x50: {  	_ =	shalt  }
0x51: {  	_ =	shalt  }
0x52: {  	_ =	shalt  }
0x53: {  	_ =	shalt  }
0x54: {  	_ =	shalt  }
0x55: {  	_ =	shalt  }
0x56: {  	_ =	shalt  }
0x57: {  	_ =	shalt  }
0x58: {  	_ =	shalt  }
0x59: {  	_ =	shalt  }
0x5a: {  	_ =	shalt  }
0x5b: {  	_ =	shalt  }
0x5c: {  	_ =	shalt  }
0x5d: {  	_ =	shalt  }
0x5e: {  	_ =	shalt  }
0x5f: {  	_ =	shalt  }
0x60: {  	_ =	shalt  }
0x61: {  	_ =	shalt  }
0x62: {  	_ =	shalt  }
0x63: {  	_ =	shalt  }
0x64: {  	_ =	shalt  }
0x65: {  	_ =	shalt  }
0x66: {  	_ =	shalt  }
0x67: {  	_ =	shalt  }
0x68: {  	_ =	shalt  }
0x69: {  	_ =	shalt  }
0x6a: {  	_ =	shalt  }
0x6b: {  	_ =	shalt  }
0x6c: {  	_ =	shalt  }
0x6d: {  	_ =	shalt  }
0x6e: {  	_ =	shalt  }
0x6f: {  	_ =	shalt  }
0x70: {  	_ =	shalt  }
0x71: {  	_ =	shalt  }
0x72: {  	_ =	shalt  }
0x73: {  	_ =	shalt  }
0x74: {  	_ =	shalt  }
0x75: {  	_ =	shalt  }
0x76: {  	_ =	shalt  }
0x77: {  	_ =	shalt  }
0x78: {  	_ =	shalt  }
0x79: {  	_ =	shalt  }
0x7a: {  	_ =	shalt  }
0x7b: {  	_ =	shalt  }
0x7c: {  	_ =	shalt  }
0x7d: {  	_ =	shalt  }
0x7e: {  	_ =	shalt  }
0x7f: {  	_ =	shalt  }
0x80: {  	_ =	shalt  }
0x81: {  	_ =	shalt  }
0x82: {  	_ =	shalt  }
0x83: {  	_ =	shalt  }
0x84: {  	_ =	shalt  }
0x85: {  	_ =	shalt  }
0x86: {  	_ =	shalt  }
0x87: {  	_ =	shalt  }
.Lfunc_end0:
.L_simem_size_0:
called_computation_lowered:
.L_overlay_start_0:
0x88: {  	s2 =	sld [smem:$0x3FD9]  }
0x89: {  	s3 =	sld [smem:$0x3FFE];
	_ =	sdelay $0x1  }
0x8a: {  	s1 =	srdreg.scid  }
0x8b: {  	s0 =	sand.u32 $0x1, s1  }
0x8c: {  	s17 =	sshll.u32 s0, $0xA;
	s2 =	sadd.s32 s3, s2  }
0x8d: {  	s2 =	sadd.s32 s2, s17  }
0x8e: {  	[smem:$0x3FC1] =	sst s2  }
0x8f: {  	_ = 	snop  }
0x90: {  	s2 =	sld [smem:$0x3FD0];
	(tm) =	ssettm $0x1  }
0x91: {  	s18 =	sld [smem:$0x3FFB];
	_ =	sdelay $0x3  }
0x92: {  	_ =	strace s18  }
0x93: {  	s3 =	sld [smem:$0x3FFC];
	_ =	sdelay $0x3  }
0x94: {  	_ =	strace s3  }
0x95: {  	s3 =	sld [smem:$0x3FFD];
	_ =	sdelay $0x3  }
0x96: {  	_ =	strace s3  }
0x97: {  	_ =	strace $0x8FFFFFFF  }
0x98: {  	s19 =	sld [smem:$0x3FDB];
	_ =	sdelay $0x1  }
0x99: {  	s4 =	simm.s32 $_scs_section_size  }
0x9a: {  	s5 =	simm.s32 $_size__tile_overlayer_lowered;
	s6 =	simm.s32 $_tile_overlayer_lowered  }
0x9b: {  	s22 =	simm.s32 $0x1BFF;
	s21 =	sshll.u32 s6, $0x1;
	s3 =	sadd.s32 s4, s19  }
0x9c: {  	s7 =	simm.s32 $0x0;
	s20 =	sshll.u32 s5, $0x1;
	s5 =	sadd.s32 s21, s3  }
0x9d: {  	[timem:s7], [sflag:s22] =	dma.local [hbm:s5], s20  }
0x9e: {  	_ =	swait.ge [sflag:s22], s20  }
0x9f: {  	s4 =	ssub.s32 $0x0, s20;
	[sflag:s22] =	ssyncset.done $0x0  }
0xa0: {  	[sflag:s22] =	ssyncadd.s32 s4;
	_ =	sdelay $0x1  }
0xa1: {  	s23 =	simm.s32 $0x1B8B  }
0xa2: {  	_ =	swait.ge [sflag:s23], $0x1  }
0xa3: {  	[sflag:s23] =	ssyncset.done $0x0  }
0xa4: {  	s25 =	simm.s32 $0x1B8E;
	s24 =	sld [smem:$0x3FFE];
	[sflag:s23] =	ssyncadd.s32 $0xFFFFFFFF  }
0xa5: {  	s26 =	simm.s32 $execute0_lowered;
	[smem:$0x3FD2] =	sst s25  }
0xa6: {  	s5 =	sshll.u32 s26, $0x1;
	_ =	strace $0x80000049;
	[dreg:$0x1] =	wrdreg $0xFFFFFFFF  }
0xa7: {  	s28 =	simm.s32 $_size_execute0_lowered;
	s3 =	sadd.s32 s3, s5;
	[dreg:$0x0] =	wrdreg $0x0  }
0xa8: {  	s5 =	sshll.u32 s28, $0x1;
	[dreg:$0x2] =	wrdreg s3  }
0xa9: {  	[dreg:$0x3] =	wrdreg s5  }
0xaa: {  	[dreg:$0x4] =	wrdreg $0xC0  }
0xab: {  	_ =	task [dreg:s7], $0x5FFFF  }
0xac: {  	[dreg:$0x1] =	wrdreg $0xFFFFFFFF  }
0xad: {  	[dreg:$0x0] =	wrdreg $0x60  }
0xae: {  	[dreg:$0x2] =	wrdreg s24  }
0xaf: {  	[dreg:$0x3] =	wrdreg s2  }
0xb0: {  	[dreg:$0x4] =	wrdreg $0x9  }
0xb1: {  	_ =	task.clear_ibuf [dreg:s7], $0x5FFFF;
	_ =	strace $0x90000049  }
0xb2: {  	s29 =	simm.s32 $0x9;
	_ =	strace $0x8000004B  }
0xb3: {  	_ =	swait.ge [sflag:s29], $0x1  }
0xb4: {  	[sflag:s29] =	ssyncadd.s32 $0xFFFFFFFF  }
0xb5: {  	_ =	strace $0x9000004B  }
0xb6: {  	_ =	sfence  }
0xb7: {  	s30 =	sld [smem:$0x0];
	_ =	sdelay $0x2  }
0xb8: {  	s31 =	sshll.u32 s1, $0xD;
	s1 =	sshrl.u32 s1, $0x2  }
0xb9: {  	s3 =	sand.u32 $0x4000, s31;
	s1 =	sadd.s32 s1, s30  }
0xba: {  	s0 =	sor.u32 s3, s0;
	s1 =	sshll.u32 s1, $0x11  }
0xbb: {  	s0 =	sor.u32 s1, s0  }
0xbc: {  	s0 =	sadd.s32 $0x8F2B, s0  }
0xbd: {  	[sflag:s0] =	ssyncadd.remote.s32 $0x1  }
0xbe: {  	_ =	sfence.sel $0xFFFF  }
0xbf: {  	[dreg:$0x0] =	wrdreg $0xFFFFFFFF;
	(pc) =	sbr.abs _section_cstart, $3  }
0xc0: {  	[dreg:$0x1] =	wrdreg $0xFFFFFFFF  }
0xc1: {  	_ =	task.clear_ibuf [dreg:s7], $0x2FFFF;
	_ =	strace $0x9FFFFFFF  }
0xc2: {  	(tm) =	ssettm $0x7FFFFFFF  }
0xc3: {  	_ =	shalt  }
tec
execute0_lowered:
.L_overlay_start_1:
0x0: {  	(tag) =	ssettag $0x1  }
0x1: {  	s7 =	rddreg [dreg:$0x0]  }
0x2: {  	s2 =	rddreg [dreg:$0x1]  }
0x3: {  	s0 =	rddreg [dreg:$0x2]  }
0x4: {  	s1 =	srdreg.scid;
	_ =	strace $0x8000004A;
	s4 =	simm.s32 $0x1  }
0x5: {  	s9 =	simm.s32 $0x3;
	s12 =	simm.s32 $0x0;
	s5 =	sshll.u32 s1, $0x4  }
.Ltmp0:
0x6: {  	s1 =	stileid.u32;
	s5 =	sand.u32 $0x10, s5;
	(pc) =	sbr.rel .LBB2_1-.Ltmp0, $4  }
0x7: {  	s10 =	simm.s32 $0x0;
	s3 =	sadd.s32 $0x1400, s7;
	s6 =	sor.u32 s1, s5  }
0x8: {  	[sflag:s4] =	ssyncpa.u1 $0x0;
	s5 =	simm.s32 $0x2;
	s6 =	sshll.u32 s6, $0x7  }
0x9: {  	s7 =	sadd.s32 $0x31600, s7;
	[sflag:s5] =	ssyncpa.u1 $0x0;
	s8 =	sadd.s32 $0x80, s6  }
0xa: {  	vm0 =	vmmov $0xff;
	vm1 =	vcmask $0x3F20;
	[sflag:s9] =	ssyncpa.u1 $0x0;
	s9 =	simm.s32 $0x80;
	s11 =	smov.u32 s6  }
.LBB2_9:
0xb: {  	p0 =	seq.s32 s10, $0x2  }
.Ltmp1:
0xc: {  	_ = 	snop;
	(pc) =	sbr.rel @p0 .LBB2_11-.Ltmp1, $1  }
0xd: {  	_ =	sdelay $0x3  }
.LBB2_10:
0xe: {  	s12 =	sadd.s32 $0x80, s11  }
0xf: {  	s13 =	smov.u32 s6;
	p0 =	slt.s32 s12, s8  }
0x10: {  	s13 =	smov.u32 @p0 s12  }
0x11: {  	s10 =	sadd.s32 $0x1, s10;
	s12 =	smov.u32 s11;
	s11 =	smov.u32 s13  }
.LBB2_1:
0x12: {  	p0 =	sne.s32 s10, $0x0  }
.Ltmp2:
0x13: {  	_ = 	snop;
	(pc) =	sbr.rel @!p0 .LBB2_2-.Ltmp2, $1  }
0x14: {  	_ =	sdelay $0x3  }
0x15: {  	s13 =	sand.u32 $0x1, s10  }
0x16: {  	p0 =	seq.s32 s13, $0x0  }
.Ltmp3:
0x17: {  	_ = 	snop;
	(pc) =	sbr.rel @p0 .LBB2_9-.Ltmp3, $1  }
0x18: {  	_ =	sdelay $0x3  }
0x19: {  	_ =	swait.ge [sflag:s5], $0x80  }
0x1a: {  	[sflag:s5] =	ssyncset.done $0x0  }
0x1b: {  	s13 =	simm.s32 $0x0;
	[sflag:s5] =	ssyncadd.s32 $0xFFFFFF80  }
0x1c: {  	v0 =	vld.msk [tilespmem:s13+$0x80 ss:$0x1], $0xffff;
	_ =	sdelay $0x4  }
0x1d: {  	vm2 =	vgt.s32 v0, $0x0  }
0x1e: {  	v0 =	vnsel vm2, $0x0, v0  }
0x1f: {  	v0 =	vmin.u32 v0, $0x2FFF  }
0x20: {  	v0 =	vshll.u32 v0, $0x4;
	_ =	sdelay $0x3  }
0x21: {  	s13 =	simm.s32 $0x4100  }
0x22: {  	[tilespmem:s13], [sflag:$0x1] =	stream.indirect_vreg.gather [hbm:s3], $0x80, v0, vm0, $0x38;
	[tilespmem:$0x8100] =	vst v63  }
0x23: {  	s14 =	simm.s32 $0x4500;
	s31 =	simm.s32 $0x10  }
0x24: {  	[tilespmem:s14], [sflag:$0x1] =	stream.indirect_vreg.gather [hbm:s3], $0x80, v0, vm1, $0x38;
	[tilespmem:$0x8100] =	vst v63  }
0x25: {  	s14 =	simm.s32 $0x80;
	v0 =	vld.msk [tilespmem:s31+$0x80 ss:$0x1], $0xffff  }
.LBB2_5:
0x26: {  	p0 =	sne.s32 s14, $0x1C0;
	_ =	sdelay $0x4  }
0x27: {  	vm2 =	vgt.s32 v0, $0x0  }
0x28: {  	v0 =	vnsel vm2, $0x0, v0  }
0x29: {  	v0 =	vmin.u32 v0, $0x2FFF  }
0x2a: {  	v0 =	vshll.u32 v0, $0x4;
	_ =	sdelay $0x3  }
.Ltmp4:
0x2b: {  	s13 =	sadd.s32 $0x800, s13;
	(pc) =	sbr.rel @p0 .LBB2_5-.Ltmp4, $4  }
0x2c: {  	[tilespmem:s13], [sflag:$0x1] =	stream.indirect_vreg.gather [hbm:s3], $0x80, v0, vm0, $0x38;
	[tilespmem:$0x8100] =	vst v63  }
0x2d: {  	s15 =	sshra.s32 s14, $0x2;
	s16 =	sadd.s32 $0x400, s13  }
0x2e: {  	[tilespmem:s16], [sflag:$0x1] =	stream.indirect_vreg.gather [hbm:s3], $0x80, v0, vm1, $0x38;
	[tilespmem:$0x8100] =	vst v63  }
0x2f: {  	s14 =	sadd.s32 $0x40, s14;
	v0 =	vld.msk [tilespmem:s15+$0x80 ss:$0x1], $0xffff  }
0x30: {  	_ =	sdelay $0x3  }
0x31: {  	vm2 =	vgt.s32 v0, $0x0  }
0x32: {  	v0 =	vnsel vm2, $0x0, v0  }
0x33: {  	v0 =	vmin.u32 v0, $0x2FFF  }
0x34: {  	v0 =	vshll.u32 v0, $0x4;
	_ =	sdelay $0x3  }
0x35: {  	s13 =	sadd.s32 $0x800, s13  }
0x36: {  	[tilespmem:s13], [sflag:$0x1] =	stream.indirect_vreg.gather [hbm:s3], $0x80, v0, vm0, $0x38;
	[tilespmem:$0x8100] =	vst v63  }
0x37: {  	s13 =	sadd.s32 $0x400, s13  }
0x38: {  	[tilespmem:s13], [sflag:$0x1] =	stream.indirect_vreg.gather [hbm:s3], $0x80, v0, vm1, $0x38;
	[tilespmem:$0x8100] =	vst v63  }
0x39: {  	s12 =	sshll.u32 s12, $0x4;
	s14 =	simm.s32 $0x80;
	_ =	swait.ge [sflag:s4], $0x4000  }
0x3a: {  	s15 =	simm.s32 $0x4500;
	s12 =	sadd.s32 s12, s2;
	[sflag:s4] =	ssyncset.done $0x0  }
0x3b: {  	s16 =	sadd.s32 $0x0, s12;
	s13 =	simm.s32 $0x4100;
	[sflag:s4] =	ssyncadd.s32 $0xFFFFC000  }
.LBB2_7:
0x3c: {  	[hbm:s16] =	stream.linear.scatter [tilespmem:s13], [sflag:$0x3], $0x400, $0x38;
	[tilespmem:$0x8100] =	vst v63  }
0x3d: {  	s16 =	smov.u32 s14;
	s13 =	smov.u32 s15;
	p0 =	sne.s32 s14, $0x780  }
.Ltmp5:
0x3e: {  	s14 =	sadd.s32 $0x80, s14;
	(pc) =	sbr.rel @p0 .LBB2_7-.Ltmp5, $2  }
0x3f: {  	_ =	sdelay $0x2  }
0x40: {  	s15 =	sadd.s32 $0x400, s15;
	s16 =	sadd.s32 s16, s12  }
.Ltmp6:
0x41: {  	(pc) =	sbr.rel .LBB2_9-.Ltmp6, $2  }
0x42: {  	_ =	sdelay $0x2  }
0x43: {  	[hbm:s16] =	stream.linear.scatter [tilespmem:s13], [sflag:$0x3], $0x400, $0x38;
	[tilespmem:$0x8100] =	vst v63  }
.LBB2_2:
.Ltmp7:
0x44: {  	(pc) =	sbr.rel .LBB2_10-.Ltmp7, $4  }
0x45: {  	_ = 	snop  }
0x46: {  	s12 =	sshrl.u32 s11, $0x3  }
0x47: {  	s13 =	sand.u32 $0x7, s11;
	s12 =	sadd.s32 s7, s12  }
0x48: {  	[tilespmem:s9], [sflag:$0x2] =	stream.linear.gather [hbm4b:s12+s13], $0x80, $0x38;
	[tilespmem:$0x8100] =	vst v63  }
.LBB2_11:
0x49: {  	s2 =	simm.s32 $0x3  }
0x4a: {  	_ =	swait.ge [sflag:s2], $0x4000  }
0x4b: {  	[sflag:s2] =	ssyncset.done $0x0  }
0x4c: {  	[sflag:s2] =	ssyncadd.s32 $0xFFFFC000  }
0x4d: {  	_ =	sfence.sel $0x180000  }
0x4e: {  	s3 =	simm.s32 $0x2;
	[bflag:$0x0] =	sbarrier.arrive $0xFFFF  }
0x4f: {  	[sflag:s3] =	ssyncpa.u1 $0x1  }
0x50: {  	s31 =	simm.s32 $0x1;
	[sflag:s2] =	ssyncpa.u1 $0x1  }
0x51: {  	[sflag:s31] =	ssyncpa.u1 $0x1  }
0x52: {  	p0 =	sne.s32 s1, $0x0;
	_ =	strace $0x9000004A  }
0x53: {  	s0 =	sadd.s32 @!p0 $0x100000, s0;
	[bflag:$0x2] =	sbarrier.arrive $0xFFFF  }
0x54: {  	[sflag:s0] =	ssyncadd.tile.s32 @!p0 $0x1;
	_ =	shalt  }
.Lfunc_end2:
_tile_overlayer_lowered:
.L_overlay_start_2:
0x55: {  	(tag) =	ssettag $0x2  }
0x56: {  	s0 =	rddreg [dreg:$0x0];
	s2 =	stileid.u32  }
0x57: {  	s1 =	rddreg [dreg:$0x1];
	p0 =	sne.s32 s2, $0x0  }
0x58: {  	s3 =	rddreg [dreg:$0x2];
	[bflag:$0x3] =	sbarrier.arrive $0xFFFF;
	s2 =	simm.s32 @!p0 $0x1C01  }
0x59: {  	[timem:s3], [sflag:s2] =	dma.local @!p0 [hbm:s0], s1  }
0x5a: {  	s0 =	simm.s32 @!p0 $0x1  }
0x5b: {  	_ =	swait.ge @!p0 [sflag:s0], s1  }
0x5c: {  	s1 =	ssub.s32 @!p0 $0x0, s1;
	[sflag:s0] =	ssyncset.done @!p0 $0x0  }
0x5d: {  	[sflag:s0] =	ssyncadd.s32 @!p0 s1  }
0x5e: {  	[bflag:$0x3] =	sbarrier.arrive $0xFFFF  }
0x5f: {  	_ =	shalt  }

// kernel: kernel.5.cloned.1.call-start
scs
__scs_entry_jumppad:
0x0: {  	(pc) =	sbr.rel $0x88, $3  }
0x1: {  	(tag) =	ssettag $0x0;
	lr =	simm.s32 $0x1  }
0x2: {  	[smem:$0x3F9A] =	sst lr;
	_ =	strace $0xD0000000  }
0x3: {  	_ = 	snop  }
0x4: {  	_ = 	snop  }
0x5: {  	_ = 	snop  }
0x6: {  	_ = 	snop  }
0x7: {  	_ = 	snop  }
__scs_overlays_trampoline_lowered:
0x8: {  	[smem:$0x3FA9] =	sst s0  }
0x9: {  	[smem:$0x3FAA] =	sst s1  }
0xa: {  	[smem:$0x3FAB] =	sst s2  }
0xb: {  	[smem:$0x3FAC] =	sst s3  }
0xc: {  	[smem:$0x3FAD] =	sst s4  }
0xd: {  	[smem:$0x3FAE] =	sst s5  }
0xe: {  	[smem:$0x3FAF] =	sst s6  }
0xf: {  	[smem:$0x3FB0] =	sst s7  }
0x10: {  	[smem:$0x3FB1] =	sst s8  }
0x11: {  	[smem:$0x3FB2] =	sst s9;
	s0 =	simm.s32 @!p0 $0x0  }
0x12: {  	s1 =	sld [smem:$0x3F98];
	s0 =	simm.s32 @p0 $0x1  }
0x13: {  	[smem:$0x3FB3] =	sst s0;
	s0 =	simm.s32 @!p1 $0x0  }
0x14: {  	s2 =	sld [smem:$0x3F97];
	s0 =	simm.s32 @p1 $0x1  }
0x15: {  	[smem:$0x3FB4] =	sst s0;
	s0 =	simm.s32 @!p2 $0x0  }
0x16: {  	s3 =	sld [smem:$0x3FDB];
	s0 =	simm.s32 @p2 $0x1  }
0x17: {  	s4 =	simm.s32 $0x1BF5;
	[smem:$0x3FB6] =	sst s0  }
0x18: {  	s0 =	sld [smem:$0x3F99];
	_ =	swait.ge [sflag:s4], $0x0  }
0x19: {  	s7 =	sld [smem:$0x3F9A]  }
0x1a: {  	s8 =	sadd.s32 $0xFFFFE003, lr  }
0x1b: {  	s9 =	sadd.s32 $0xFFFFFEF7, lr;
	s5 =	simm.s32 $0xFFFFFFFF;
	p2 =	slt.u32 s8, $0xFFFFF086  }
0x1c: {  	p1 =	slt.u32 s9, $0xF7A;
	s5 =	simm.s32 @!p2 $0x0  }
0x1d: {  	s5 =	simm.s32 @p1 $0x1;
	p0 =	seq.s32 s7, s2  }
0x1e: {  	s7 =	smul.u32 @!p0 $0xF7A, s2;
	p2 =	seq.s32 @!p0 s5, $0x0  }
0x1f: {  	s9 =	smul.u32 $0xF7A, s1;
	s8 =	simm.s32 @!p0 $0x1BF5;
	p2 =	por !p2, p0  }
0x20: {  	[sflag:s8] =	ssyncset.s32 @!p0 $0xFFFFF086;
	s6 =	sadd.s32 @!p0 s3, s7;
	s7 =	simm.s32 @!p0 $0x108  }
0x21: {  	s3 =	sadd.s32 s3, s9;
	s6 =	sadd.s32 @!p0 $0x88, s6;
	s7 =	simm.s32 @p2 $0x1082  }
0x22: {  	[simem:s7], [sflag:s8] =	dma.local @!p0 [hbm:s6], $0xF7A  }
0x23: {  	s9 =	sor.u32 $0xD0000000, s2;
	s6 =	simm.s32 $0x108;
	_ =	swait.ge @!p0 [sflag:s8], $0x0  }
0x24: {  	s3 =	sadd.s32 $0x88, s3;
	s6 =	simm.s32 @!p1 $0x1082;
	[sflag:s4] =	ssyncset.s32 $0xFFFFF086  }
0x25: {  	[simem:s6], [sflag:s4] =	dma.local [hbm:s3], $0xF7A  }
0x26: {  	[smem:$0x3F9A] =	sst s1;
	(tag) =	ssettag s2;
	_ =	strace s9  }
0x27: {  	s1 =	sld [smem:$0x3FAA]  }
0x28: {  	s2 =	sld [smem:$0x3FAB]  }
0x29: {  	s4 =	sld [smem:$0x3FAD]  }
0x2a: {  	p0 =	seq.s32 s5, $0x0;
	s5 =	sld [smem:$0x3FAE]  }
0x2b: {  	s6 =	sld [smem:$0x3FAF]  }
0x2c: {  	s7 =	sld [smem:$0x3FB0]  }
0x2d: {  	s3 =	simm.s32 $0x108;
	s8 =	sld [smem:$0x3FB1]  }
0x2e: {  	s3 =	simm.s32 @!p0 $0x1082;
	s9 =	sld [smem:$0x3FB2]  }
0x2f: {  	lr =	sadd.s32 s0, s3;
	s0 =	sld [smem:$0x3FA9]  }
0x30: {  	s3 =	sld [smem:$0x3FAC]  }
0x31: {  	[smem:$0x3FB5] =	sst s10  }
0x32: {  	s10 =	sld [smem:$0x3FB3];
	_ =	sdelay $0x3  }
0x33: {  	p0 =	seq.s32 s10, $0x1;
	s10 =	sld [smem:$0x3FB5];
	_ =	sdelay $0x3  }
0x34: {  	[smem:$0x3FB5] =	sst s10  }
0x35: {  	s10 =	sld [smem:$0x3FB4];
	_ =	sdelay $0x3  }
0x36: {  	p1 =	seq.s32 s10, $0x1;
	s10 =	sld [smem:$0x3FB5];
	_ =	sdelay $0x3  }
0x37: {  	[smem:$0x3FB5] =	sst s10  }
0x38: {  	s10 =	sld [smem:$0x3FB6]  }
0x39: {  	_ = 	snop;
	(pc) =	sbr.ind lr, $3  }
0x3a: {  	_ = 	snop  }
0x3b: {  	_ = 	snop  }
0x3c: {  	p2 =	seq.s32 s10, $0x1;
	s10 =	sld [smem:$0x3FB5]  }
0x3d: {  	_ =	shalt  }
0x3e: {  	_ =	shalt  }
0x3f: {  	_ =	shalt  }
0x40: {  	_ =	shalt  }
0x41: {  	_ =	shalt  }
0x42: {  	_ =	shalt  }
0x43: {  	_ =	shalt  }
0x44: {  	_ =	shalt  }
0x45: {  	_ =	shalt  }
0x46: {  	_ =	shalt  }
0x47: {  	_ =	shalt  }
0x48: {  	_ =	shalt  }
0x49: {  	_ =	shalt  }
0x4a: {  	_ =	shalt  }
0x4b: {  	_ =	shalt  }
0x4c: {  	_ =	shalt  }
0x4d: {  	_ =	shalt  }
0x4e: {  	_ =	shalt  }
0x4f: {  	_ =	shalt  }
0x50: {  	_ =	shalt  }
0x51: {  	_ =	shalt  }
0x52: {  	_ =	shalt  }
0x53: {  	_ =	shalt  }
0x54: {  	_ =	shalt  }
0x55: {  	_ =	shalt  }
0x56: {  	_ =	shalt  }
0x57: {  	_ =	shalt  }
0x58: {  	_ =	shalt  }
0x59: {  	_ =	shalt  }
0x5a: {  	_ =	shalt  }
0x5b: {  	_ =	shalt  }
0x5c: {  	_ =	shalt  }
0x5d: {  	_ =	shalt  }
0x5e: {  	_ =	shalt  }
0x5f: {  	_ =	shalt  }
0x60: {  	_ =	shalt  }
0x61: {  	_ =	shalt  }
0x62: {  	_ =	shalt  }
0x63: {  	_ =	shalt  }
0x64: {  	_ =	shalt  }
0x65: {  	_ =	shalt  }
0x66: {  	_ =	shalt  }
0x67: {  	_ =	shalt  }
0x68: {  	_ =	shalt  }
0x69: {  	_ =	shalt  }
0x6a: {  	_ =	shalt  }
0x6b: {  	_ =	shalt  }
0x6c: {  	_ =	shalt  }
0x6d: {  	_ =	shalt  }
0x6e: {  	_ =	shalt  }
0x6f: {  	_ =	shalt  }
0x70: {  	_ =	shalt  }
0x71: {  	_ =	shalt  }
0x72: {  	_ =	shalt  }
0x73: {  	_ =	shalt  }
0x74: {  	_ =	shalt  }
0x75: {  	_ =	shalt  }
0x76: {  	_ =	shalt  }
0x77: {  	_ =	shalt  }
0x78: {  	_ =	shalt  }
0x79: {  	_ =	shalt  }
0x7a: {  	_ =	shalt  }
0x7b: {  	_ =	shalt  }
0x7c: {  	_ =	shalt  }
0x7d: {  	_ =	shalt  }
0x7e: {  	_ =	shalt  }
0x7f: {  	_ =	shalt  }
0x80: {  	_ =	shalt  }
0x81: {  	_ =	shalt  }
0x82: {  	_ =	shalt  }
0x83: {  	_ =	shalt  }
0x84: {  	_ =	shalt  }
0x85: {  	_ =	shalt  }
0x86: {  	_ =	shalt  }
0x87: {  	_ =	shalt  }
.Lfunc_end0:
.L_simem_size_0:
called_computation.1_lowered:
.L_overlay_start_0:
0x88: {  	s2 =	sld [smem:$0x3FD9]  }
0x89: {  	s3 =	sld [smem:$0x3FFE];
	_ =	sdelay $0x1  }
0x8a: {  	s1 =	srdreg.scid  }
0x8b: {  	s0 =	sand.u32 $0x1, s1  }
0x8c: {  	s17 =	sshll.u32 s0, $0xA;
	s2 =	sadd.s32 s3, s2  }
0x8d: {  	s2 =	sadd.s32 s2, s17  }
0x8e: {  	[smem:$0x3FC1] =	sst s2  }
0x8f: {  	_ = 	snop  }
0x90: {  	s2 =	sld [smem:$0x3FD0];
	(tm) =	ssettm $0x1  }
0x91: {  	s18 =	sld [smem:$0x3FFB];
	_ =	sdelay $0x3  }
0x92: {  	_ =	strace s18  }
0x93: {  	s3 =	sld [smem:$0x3FFC];
	_ =	sdelay $0x3  }
0x94: {  	_ =	strace s3  }
0x95: {  	s3 =	sld [smem:$0x3FFD];
	_ =	sdelay $0x3  }
0x96: {  	_ =	strace s3  }
0x97: {  	_ =	strace $0x8FFFFFFF  }
0x98: {  	s19 =	sld [smem:$0x3FDB];
	_ =	sdelay $0x1  }
0x99: {  	s4 =	simm.s32 $_scs_section_size  }
0x9a: {  	s5 =	simm.s32 $_size__tile_overlayer_lowered;
	s6 =	simm.s32 $_tile_overlayer_lowered  }
0x9b: {  	s22 =	simm.s32 $0x1BFF;
	s21 =	sshll.u32 s6, $0x1;
	s3 =	sadd.s32 s4, s19  }
0x9c: {  	s7 =	simm.s32 $0x0;
	s20 =	sshll.u32 s5, $0x1;
	s5 =	sadd.s32 s21, s3  }
0x9d: {  	[timem:s7], [sflag:s22] =	dma.local [hbm:s5], s20  }
0x9e: {  	_ =	swait.ge [sflag:s22], s20  }
0x9f: {  	s4 =	ssub.s32 $0x0, s20;
	[sflag:s22] =	ssyncset.done $0x0  }
0xa0: {  	[sflag:s22] =	ssyncadd.s32 s4;
	_ =	sdelay $0x1  }
0xa1: {  	s23 =	simm.s32 $0x1B8B  }
0xa2: {  	_ =	swait.ge [sflag:s23], $0x1  }
0xa3: {  	[sflag:s23] =	ssyncset.done $0x0  }
0xa4: {  	s25 =	simm.s32 $0x1B8E;
	s24 =	sld [smem:$0x3FFE];
	[sflag:s23] =	ssyncadd.s32 $0xFFFFFFFF  }
0xa5: {  	s26 =	simm.s32 $execute0_lowered;
	[smem:$0x3FD2] =	sst s25  }
0xa6: {  	s5 =	sshll.u32 s26, $0x1;
	_ =	strace $0x80000046;
	[dreg:$0x1] =	wrdreg $0xFFFFFFFF  }
0xa7: {  	s28 =	simm.s32 $_size_execute0_lowered;
	s3 =	sadd.s32 s3, s5;
	[dreg:$0x0] =	wrdreg $0x0  }
0xa8: {  	s5 =	sshll.u32 s28, $0x1;
	[dreg:$0x2] =	wrdreg s3  }
0xa9: {  	[dreg:$0x3] =	wrdreg s5  }
0xaa: {  	[dreg:$0x4] =	wrdreg $0xC0  }
0xab: {  	_ =	task [dreg:s7], $0x5FFFF  }
0xac: {  	[dreg:$0x1] =	wrdreg $0xFFFFFFFF  }
0xad: {  	[dreg:$0x0] =	wrdreg $0x60  }
0xae: {  	[dreg:$0x2] =	wrdreg s2  }
0xaf: {  	[dreg:$0x3] =	wrdreg s24  }
0xb0: {  	[dreg:$0x4] =	wrdreg $0x9  }
0xb1: {  	_ =	task.clear_ibuf [dreg:s7], $0x5FFFF;
	_ =	strace $0x90000046  }
0xb2: {  	s29 =	simm.s32 $0x9;
	_ =	strace $0x80000048  }
0xb3: {  	_ =	swait.ge [sflag:s29], $0x1  }
0xb4: {  	[sflag:s29] =	ssyncadd.s32 $0xFFFFFFFF  }
0xb5: {  	_ =	strace $0x90000048  }
0xb6: {  	_ =	sfence  }
0xb7: {  	s30 =	sld [smem:$0x0];
	_ =	sdelay $0x2  }
0xb8: {  	s31 =	sshll.u32 s1, $0xD;
	s1 =	sshrl.u32 s1, $0x2  }
0xb9: {  	s3 =	sand.u32 $0x4000, s31;
	s1 =	sadd.s32 s1, s30  }
0xba: {  	s0 =	sor.u32 s3, s0;
	s1 =	sshll.u32 s1, $0x11  }
0xbb: {  	s0 =	sor.u32 s1, s0  }
0xbc: {  	s0 =	sadd.s32 $0x8F2B, s0  }
0xbd: {  	[sflag:s0] =	ssyncadd.remote.s32 $0x1  }
0xbe: {  	_ =	sfence.sel $0xFFFF  }
0xbf: {  	[dreg:$0x0] =	wrdreg $0xFFFFFFFF;
	(pc) =	sbr.abs _section_cstart, $3  }
0xc0: {  	[dreg:$0x1] =	wrdreg $0xFFFFFFFF  }
0xc1: {  	_ =	task.clear_ibuf [dreg:s7], $0x2FFFF;
	_ =	strace $0x9FFFFFFF  }
0xc2: {  	(tm) =	ssettm $0x7FFFFFFF  }
0xc3: {  	_ =	shalt  }
tec
execute0_lowered:
.L_overlay_start_1:
0x0: {  	(tag) =	ssettag $0x1  }
0x1: {  	s1 =	srdreg.scid  }
0x2: {  	s0 =	stileid.u32;
	s7 =	sand.u32 $0x1, s1  }
0x3: {  	s4 =	rddreg [dreg:$0x0];
	s31 =	sshll.u32 s0, $0x8;
	s2 =	sshll.u32 s7, $0x7  }
0x4: {  	s8 =	rddreg [dreg:$0x1];
	s5 =	sor.u32 s2, s31  }
0x5: {  	s1 =	rddreg [dreg:$0x2];
	s2 =	simm.s32 $0x0;
	s3 =	sshrl.u32 s5, $0x3  }
0x6: {  	s6 =	simm.s32 $0x80;
	[smem:$0x7FF] =	sst s2;
	s3 =	sadd.s32 s3, s8  }
0x7: {  	s5 =	sshll.u32 s5, $0x4;
	_ =	strace $0x80000047;
	s3 =	sadd.s32 $0x1400, s3  }
0x8: {  	[tilespmem:s2], [sflag:$0x1] =	stream.linear.gather [hbm4b:s3+s2], $0x80, $0x38;
	[tilespmem:$0x4080] =	vst v63  }
0x9: {  	s9 =	ssub.s32 $0x2, s7;
	s4 =	sadd.s32 s4, s5;
	s5 =	simm.s32 $0x1  }
0xa: {  	[tilespmem:s6], [sflag:$0x2] =	stream.linear.gather [hbm4b:s4+s2], $0x4000, $0x38;
	[tilespmem:$0x4080] =	vst v63  }
0xb: {  	s10 =	sshrl.u32 s9, $0x1;
	_ =	swait.ge [sflag:s5], $0x80  }
0xc: {  	s9 =	ssub.s32 s9, s10;
	[sflag:s5] =	ssyncset.done $0x0  }
0xd: {  	s7 =	simm.s32 $0x2;
	s9 =	smax.u32 s9, $0x1;
	[sflag:s5] =	ssyncadd.s32 $0xFFFFFF80  }
0xe: {  	p0 =	sne.s32 s9, $0x1;
	_ =	swait.ge [sflag:s7], $0x4000  }
.Ltmp0:
0xf: {  	[sflag:s7] =	ssyncset.done $0x0;
	(pc) =	sbr.rel @!p0 .LBB2_2-.Ltmp0, $4  }
0x10: {  	s8 =	sadd.s32 $0x1600, s8;
	[sflag:s7] =	ssyncadd.s32 $0xFFFFC000  }
0x11: {  	[hbm4b:s8+s6] =	stream.indirect.scatter [tilespmem:s6], [sflag:$0x1], $0x80, s2, s6, $0xb8;
	[tilespmem:$0x4080] =	vst v63  }
0x12: {  	_ =	swait.ge [sflag:s5], $0x4000  }
0x13: {  	s9 =	sadd.s32 $0xFFFFFFFF, s9;
	[sflag:s5] =	ssyncset.done $0x0  }
.LBB2_1:
0x14: {  	p0 =	sne.s32 s9, $0x1;
	s9 =	sadd.s32 $0xFFFFFFFF, s9;
	[sflag:s5] =	ssyncadd.s32 $0xFFFFC000  }
0x15: {  	[tilespmem:s2], [sflag:$0x1] =	stream.linear.gather [hbm4b:s3+s2], $0x80, $0x38;
	[tilespmem:$0x4080] =	vst v63  }
0x16: {  	_ = 	snop  }
0x17: {  	[tilespmem:s6], [sflag:$0x2] =	stream.linear.gather [hbm4b:s4+s2], $0x4000, $0x38;
	[tilespmem:$0x4080] =	vst v63  }
0x18: {  	_ =	swait.ge [sflag:s5], $0x80  }
0x19: {  	[sflag:s5] =	ssyncset.done $0x0  }
0x1a: {  	[sflag:s5] =	ssyncadd.s32 $0xFFFFFF80  }
0x1b: {  	_ =	swait.ge [sflag:s7], $0x4000  }
.Ltmp1:
0x1c: {  	[sflag:s7] =	ssyncset.done $0x0;
	(pc) =	sbr.rel @p0 .LBB2_1-.Ltmp1, $4  }
0x1d: {  	[sflag:s7] =	ssyncadd.s32 $0xFFFFC000  }
0x1e: {  	[hbm4b:s8+s6] =	stream.indirect.scatter [tilespmem:s6], [sflag:$0x1], $0x80, s2, s6, $0xb8;
	[tilespmem:$0x4080] =	vst v63  }
0x1f: {  	_ =	swait.ge [sflag:s5], $0x4000  }
0x20: {  	[sflag:s5] =	ssyncset.done $0x0  }
.LBB2_2:
0x21: {  	[sflag:s5] =	ssyncadd.s32 $0xFFFFC000  }
0x22: {  	_ =	sfence.sel $0x180000  }
0x23: {  	[bflag:$0x0] =	sbarrier.arrive $0xFFFF  }
0x24: {  	p0 =	sne.s32 s0, $0x0;
	_ =	strace $0x90000047  }
0x25: {  	s0 =	sadd.s32 @!p0 $0x100000, s1;
	[bflag:$0x2] =	sbarrier.arrive $0xFFFF  }
0x26: {  	[sflag:s0] =	ssyncadd.tile.s32 @!p0 $0x1;
	_ =	shalt  }
.Lfunc_end2:
_tile_overlayer_lowered:
.L_overlay_start_2:
0x27: {  	(tag) =	ssettag $0x2  }
0x28: {  	s0 =	rddreg [dreg:$0x0];
	s2 =	stileid.u32  }
0x29: {  	s1 =	rddreg [dreg:$0x1];
	p0 =	sne.s32 s2, $0x0  }
0x2a: {  	s3 =	rddreg [dreg:$0x2];
	[bflag:$0x3] =	sbarrier.arrive $0xFFFF;
	s2 =	simm.s32 @!p0 $0x1C03  }
0x2b: {  	[timem:s3], [sflag:s2] =	dma.local @!p0 [hbm:s0], s1  }
0x2c: {  	s0 =	simm.s32 @!p0 $0x3  }
0x2d: {  	_ =	swait.ge @!p0 [sflag:s0], s1  }
0x2e: {  	s1 =	ssub.s32 @!p0 $0x0, s1;
	[sflag:s0] =	ssyncset.done @!p0 $0x0  }
0x2f: {  	[sflag:s0] =	ssyncadd.s32 @!p0 s1  }
0x30: {  	[bflag:$0x3] =	sbarrier.arrive $0xFFFF  }
0x31: {  	_ =	shalt  }

</sc_bundles>
